<compile_context>
chip_gen: v7x
topology: tpu7x:2x2x1
jax: 0.10.2.dev20260603
libtpu: 0.0.44.dev20260713+nightly
codegen_flags: <defaults>
</compile_context>

<pallas_src>
import functools

import jax
import jax.numpy as jnp
from jax import lax
from jax.experimental import pallas as pl
from jax.experimental.pallas import tpu as pltpu
from jax.experimental.pallas import tpu_sc as plsc

N = 1_000_000
NIDX = 65536
NW = 16
CHUNK = 62720
LAST = N - 15 * CHUNK
L = 16


@functools.partial(
    pl.kernel,
    mesh=plsc.VectorSubcoreMesh(core_axis_name="c", subcore_axis_name="s",
                                num_cores=1),
    out_type=jax.ShapeDtypeStruct((N,), jnp.float32),
    scratch_types=[
        pltpu.VMEM((NIDX,), jnp.int32),
        pltpu.VMEM((CHUNK,), jnp.float32),
        [pltpu.SemaphoreType.DMA] * 8,
    ],
    compiler_params=pltpu.CompilerParams(needs_layout_passes=False),
)
def _scatter_ones(idx_hbm, out_hbm, idx_v, chunk_v, sems):
    wid = lax.axis_index("s")
    base = wid * CHUNK

    nch = 8
    ich = NIDX // nch
    offs = [lax.rem(jnp.int32(wid // 2 + k), jnp.int32(nch)) * ich
            for k in range(nch)]
    cps = [pltpu.async_copy(idx_hbm.at[pl.ds(offs[k], ich)],
                            idx_v.at[pl.ds(offs[k], ich)], sems[k])
           for k in range(nch)]

    zeros = jnp.zeros((L,), jnp.float32)

    @plsc.parallel_loop(0, CHUNK // L, unroll=8)
    def _zero_body(i):
        chunk_v[pl.ds(i * L, L)] = zeros

    ones = jnp.ones((L,), jnp.float32)

    for k in range(nch):
        cps[k].wait()
        off_k = offs[k]

        @plsc.parallel_loop(0, ich // L, unroll=16)
        def _scan_body(j):
            loc = idx_v[pl.ds(off_k + j * L, L)] - base
            m = plsc.bitcast(loc, jnp.uint32) < jnp.uint32(CHUNK)
            plsc.store_scatter(chunk_v, [loc], ones, mask=m)

    def _wout(total):
        q = total // 4 // 8 * 8
        szs = [q, q, q, total - 3 * q]
        ws = []
        o = 0
        for k in range(4):
            ws.append(pltpu.async_copy(chunk_v.at[pl.ds(o, szs[k])],
                                       out_hbm.at[pl.ds(base + o, szs[k])],
                                       sems[k]))
            o += szs[k]
        for w in ws:
            w.wait()

    @pl.when(wid < NW - 1)
    def _():
        _wout(CHUNK)

    @pl.when(wid == NW - 1)
    def _():
        _wout(LAST)


def kernel(n_range, s, idx):
    del n_range, s
    return (_scatter_ones(idx.astype(jnp.int32)),)

# --- scband reference (transcript-rebuilt; emitter-appended) ---
"""Pipeline reference for scband-piecewise-constant-1022202217203 (READ-ONLY COPY).

The authoritative reference and input builder live on the scoring server;
editing this copy changes nothing except your own understanding.
"""

import jax, jax.numpy as jnp
import numpy as np

def setup_inputs(seed: int = 0) -> dict:
    key = jax.random.key(seed)
    k1, k2 = jax.random.split(key)
    n_range = jnp.arange(1000000, dtype=jnp.float32)
    s = jax.random.uniform(k1, (1,), dtype=jnp.float32)
    idx = jax.random.randint(k2, (65536,), 0, 1000000, dtype=jnp.int64) if jax.config.jax_enable_x64 else jax.random.randint(k2, (65536,), 0, 1000000, dtype=jnp.int32)
    return {"n_range": n_range, "s": s, "idx": idx}

def reference(n_range, s, idx):
    # zero_tnsor = torch.zeros(len(n_range)); zero_tnsor[idx] = 1
    zero_tnsor = jnp.zeros(n_range.shape[0], dtype=jnp.float32)
    zero_tnsor = zero_tnsor.at[idx].set(1.0)
    # basis = [zero_tnsor]
    return (zero_tnsor,)

if __name__ == "__main__":
    import jax
    _d = setup_inputs()
    print(jax.jit(kernel)(*tuple(_d.values())))

</pallas_src>

<mosaic_0001>
#map = affine_map<(d0, d1) -> (0)>
module attributes {stable_mosaic.version = 14 : i64} {
  func.func @_scatter_ones(%arg0: i32, %arg1: i32, %arg2: memref<65536xi32, #tpu.memory_space<hbm>>, %arg3: memref<1000000xf32, #tpu.memory_space<hbm>>, %arg4: memref<65536xi32, #tpu.memory_space<vmem>>, %arg5: memref<62720xf32, #tpu.memory_space<vmem>>, %arg6: memref<!tpu.dma_semaphore, #tpu.memory_space<semaphore_mem>>, %arg7: memref<!tpu.dma_semaphore, #tpu.memory_space<semaphore_mem>>, %arg8: memref<!tpu.dma_semaphore, #tpu.memory_space<semaphore_mem>>, %arg9: memref<!tpu.dma_semaphore, #tpu.memory_space<semaphore_mem>>, %arg10: memref<!tpu.dma_semaphore, #tpu.memory_space<semaphore_mem>>, %arg11: memref<!tpu.dma_semaphore, #tpu.memory_space<semaphore_mem>>, %arg12: memref<!tpu.dma_semaphore, #tpu.memory_space<semaphore_mem>>, %arg13: memref<!tpu.dma_semaphore, #tpu.memory_space<semaphore_mem>>) attributes {dimension_semantics = [#tpu.dimension_semantics<core_parallel>, #tpu.dimension_semantics<subcore_parallel>], iteration_bounds = array<i64: 1, 16>, scalar_prefetch = 0 : i64, scratch_operands = 10 : i64, tpu.core_type = #tpu.core_type<sc_vector_subcore>, window_params = [{transform_indices = #map}, {transform_indices = #map}]} {
    %mul3A = arith.constant 62720 : i32
    %mul3A_0 = arith.muli %arg1, %mul3A : i32
    %jit3A = arith.constant 2 : i32
    %div3A = arith.divsi %arg1, %jit3A : i32
    %sign3A = arith.constant 0 : i32
    %sign3A_1 = arith.cmpi sgt, %arg1, %sign3A : i32
    %sign3A_2 = arith.extui %sign3A_1 : i1 to i32
    %sign3A_3 = arith.constant 0 : i32
    %sign3A_4 = arith.cmpi slt, %arg1, %sign3A_3 : i32
    %sign3A_5 = arith.extui %sign3A_4 : i1 to i32
    %sign3A_6 = arith.subi %sign3A_2, %sign3A_5 : i32
    %sign3A_7 = arith.constant 0 : i32
    %sign3A_8 = arith.cmpi sgt, %jit3A, %sign3A_7 : i32
    %sign3A_9 = arith.extui %sign3A_8 : i1 to i32
    %sign3A_10 = arith.constant 0 : i32
    %sign3A_11 = arith.cmpi slt, %jit3A, %sign3A_10 : i32
    %sign3A_12 = arith.extui %sign3A_11 : i1 to i32
    %sign3A_13 = arith.subi %sign3A_9, %sign3A_12 : i32
    %ne3A = arith.cmpi ne, %sign3A_6, %sign3A_13 : i32
    %rem3A = arith.remsi %arg1, %jit3A : i32
    %ne3A_14 = arith.constant 0 : i32
    %ne3A_15 = arith.cmpi ne, %rem3A, %ne3A_14 : i32
    %and3A = arith.andi %ne3A, %ne3A_15 : i1
    %sub3A = arith.constant 1 : i32
    %sub3A_16 = arith.subi %div3A, %sub3A : i32
    %select_n3A = arith.select %and3A, %sub3A_16, %div3A : i32
    %add3A = arith.constant 0 : i32
    %add3A_17 = arith.addi %select_n3A, %add3A : i32
    %rem3A_18 = arith.constant 8 : i32
    %rem3A_19 = arith.remsi %add3A_17, %rem3A_18 : i32
    %mul3A_20 = arith.constant 8192 : i32
    %mul3A_21 = arith.muli %rem3A_19, %mul3A_20 : i32
    %jit3A_22 = arith.constant 2 : i32
    %div3A_23 = arith.divsi %arg1, %jit3A_22 : i32
    %sign3A_24 = arith.constant 0 : i32
    %sign3A_25 = arith.cmpi sgt, %arg1, %sign3A_24 : i32
    %sign3A_26 = arith.extui %sign3A_25 : i1 to i32
    %sign3A_27 = arith.constant 0 : i32
    %sign3A_28 = arith.cmpi slt, %arg1, %sign3A_27 : i32
    %sign3A_29 = arith.extui %sign3A_28 : i1 to i32
    %sign3A_30 = arith.subi %sign3A_26, %sign3A_29 : i32
    %sign3A_31 = arith.constant 0 : i32
    %sign3A_32 = arith.cmpi sgt, %jit3A_22, %sign3A_31 : i32
    %sign3A_33 = arith.extui %sign3A_32 : i1 to i32
    %sign3A_34 = arith.constant 0 : i32
    %sign3A_35 = arith.cmpi slt, %jit3A_22, %sign3A_34 : i32
    %sign3A_36 = arith.extui %sign3A_35 : i1 to i32
    %sign3A_37 = arith.subi %sign3A_33, %sign3A_36 : i32
    %ne3A_38 = arith.cmpi ne, %sign3A_30, %sign3A_37 : i32
    %rem3A_39 = arith.remsi %arg1, %jit3A_22 : i32
    %ne3A_40 = arith.constant 0 : i32
    %ne3A_41 = arith.cmpi ne, %rem3A_39, %ne3A_40 : i32
    %and3A_42 = arith.andi %ne3A_38, %ne3A_41 : i1
    %sub3A_43 = arith.constant 1 : i32
    %sub3A_44 = arith.subi %div3A_23, %sub3A_43 : i32
    %select_n3A_45 = arith.select %and3A_42, %sub3A_44, %div3A_23 : i32
    %add3A_46 = arith.constant 1 : i32
    %add3A_47 = arith.addi %select_n3A_45, %add3A_46 : i32
    %rem3A_48 = arith.constant 8 : i32
    %rem3A_49 = arith.remsi %add3A_47, %rem3A_48 : i32
    %mul3A_50 = arith.constant 8192 : i32
    %mul3A_51 = arith.muli %rem3A_49, %mul3A_50 : i32
    %jit3A_52 = arith.constant 2 : i32
    %div3A_53 = arith.divsi %arg1, %jit3A_52 : i32
    %sign3A_54 = arith.constant 0 : i32
    %sign3A_55 = arith.cmpi sgt, %arg1, %sign3A_54 : i32
    %sign3A_56 = arith.extui %sign3A_55 : i1 to i32
    %sign3A_57 = arith.constant 0 : i32
    %sign3A_58 = arith.cmpi slt, %arg1, %sign3A_57 : i32
    %sign3A_59 = arith.extui %sign3A_58 : i1 to i32
    %sign3A_60 = arith.subi %sign3A_56, %sign3A_59 : i32
    %sign3A_61 = arith.constant 0 : i32
    %sign3A_62 = arith.cmpi sgt, %jit3A_52, %sign3A_61 : i32
    %sign3A_63 = arith.extui %sign3A_62 : i1 to i32
    %sign3A_64 = arith.constant 0 : i32
    %sign3A_65 = arith.cmpi slt, %jit3A_52, %sign3A_64 : i32
    %sign3A_66 = arith.extui %sign3A_65 : i1 to i32
    %sign3A_67 = arith.subi %sign3A_63, %sign3A_66 : i32
    %ne3A_68 = arith.cmpi ne, %sign3A_60, %sign3A_67 : i32
    %rem3A_69 = arith.remsi %arg1, %jit3A_52 : i32
    %ne3A_70 = arith.constant 0 : i32
    %ne3A_71 = arith.cmpi ne, %rem3A_69, %ne3A_70 : i32
    %and3A_72 = arith.andi %ne3A_68, %ne3A_71 : i1
    %sub3A_73 = arith.constant 1 : i32
    %sub3A_74 = arith.subi %div3A_53, %sub3A_73 : i32
    %select_n3A_75 = arith.select %and3A_72, %sub3A_74, %div3A_53 : i32
    %add3A_76 = arith.constant 2 : i32
    %add3A_77 = arith.addi %select_n3A_75, %add3A_76 : i32
    %rem3A_78 = arith.constant 8 : i32
    %rem3A_79 = arith.remsi %add3A_77, %rem3A_78 : i32
    %mul3A_80 = arith.constant 8192 : i32
    %mul3A_81 = arith.muli %rem3A_79, %mul3A_80 : i32
    %jit3A_82 = arith.constant 2 : i32
    %div3A_83 = arith.divsi %arg1, %jit3A_82 : i32
    %sign3A_84 = arith.constant 0 : i32
    %sign3A_85 = arith.cmpi sgt, %arg1, %sign3A_84 : i32
    %sign3A_86 = arith.extui %sign3A_85 : i1 to i32
    %sign3A_87 = arith.constant 0 : i32
    %sign3A_88 = arith.cmpi slt, %arg1, %sign3A_87 : i32
    %sign3A_89 = arith.extui %sign3A_88 : i1 to i32
    %sign3A_90 = arith.subi %sign3A_86, %sign3A_89 : i32
    %sign3A_91 = arith.constant 0 : i32
    %sign3A_92 = arith.cmpi sgt, %jit3A_82, %sign3A_91 : i32
    %sign3A_93 = arith.extui %sign3A_92 : i1 to i32
    %sign3A_94 = arith.constant 0 : i32
    %sign3A_95 = arith.cmpi slt, %jit3A_82, %sign3A_94 : i32
    %sign3A_96 = arith.extui %sign3A_95 : i1 to i32
    %sign3A_97 = arith.subi %sign3A_93, %sign3A_96 : i32
    %ne3A_98 = arith.cmpi ne, %sign3A_90, %sign3A_97 : i32
    %rem3A_99 = arith.remsi %arg1, %jit3A_82 : i32
    %ne3A_100 = arith.constant 0 : i32
    %ne3A_101 = arith.cmpi ne, %rem3A_99, %ne3A_100 : i32
    %and3A_102 = arith.andi %ne3A_98, %ne3A_101 : i1
    %sub3A_103 = arith.constant 1 : i32
    %sub3A_104 = arith.subi %div3A_83, %sub3A_103 : i32
    %select_n3A_105 = arith.select %and3A_102, %sub3A_104, %div3A_83 : i32
    %add3A_106 = arith.constant 3 : i32
    %add3A_107 = arith.addi %select_n3A_105, %add3A_106 : i32
    %rem3A_108 = arith.constant 8 : i32
    %rem3A_109 = arith.remsi %add3A_107, %rem3A_108 : i32
    %mul3A_110 = arith.constant 8192 : i32
    %mul3A_111 = arith.muli %rem3A_109, %mul3A_110 : i32
    %jit3A_112 = arith.constant 2 : i32
    %div3A_113 = arith.divsi %arg1, %jit3A_112 : i32
    %sign3A_114 = arith.constant 0 : i32
    %sign3A_115 = arith.cmpi sgt, %arg1, %sign3A_114 : i32
    %sign3A_116 = arith.extui %sign3A_115 : i1 to i32
    %sign3A_117 = arith.constant 0 : i32
    %sign3A_118 = arith.cmpi slt, %arg1, %sign3A_117 : i32
    %sign3A_119 = arith.extui %sign3A_118 : i1 to i32
    %sign3A_120 = arith.subi %sign3A_116, %sign3A_119 : i32
    %sign3A_121 = arith.constant 0 : i32
    %sign3A_122 = arith.cmpi sgt, %jit3A_112, %sign3A_121 : i32
    %sign3A_123 = arith.extui %sign3A_122 : i1 to i32
    %sign3A_124 = arith.constant 0 : i32
    %sign3A_125 = arith.cmpi slt, %jit3A_112, %sign3A_124 : i32
    %sign3A_126 = arith.extui %sign3A_125 : i1 to i32
    %sign3A_127 = arith.subi %sign3A_123, %sign3A_126 : i32
    %ne3A_128 = arith.cmpi ne, %sign3A_120, %sign3A_127 : i32
    %rem3A_129 = arith.remsi %arg1, %jit3A_112 : i32
    %ne3A_130 = arith.constant 0 : i32
    %ne3A_131 = arith.cmpi ne, %rem3A_129, %ne3A_130 : i32
    %and3A_132 = arith.andi %ne3A_128, %ne3A_131 : i1
    %sub3A_133 = arith.constant 1 : i32
    %sub3A_134 = arith.subi %div3A_113, %sub3A_133 : i32
    %select_n3A_135 = arith.select %and3A_132, %sub3A_134, %div3A_113 : i32
    %add3A_136 = arith.constant 4 : i32
    %add3A_137 = arith.addi %select_n3A_135, %add3A_136 : i32
    %rem3A_138 = arith.constant 8 : i32
    %rem3A_139 = arith.remsi %add3A_137, %rem3A_138 : i32
    %mul3A_140 = arith.constant 8192 : i32
    %mul3A_141 = arith.muli %rem3A_139, %mul3A_140 : i32
    %jit3A_142 = arith.constant 2 : i32
    %div3A_143 = arith.divsi %arg1, %jit3A_142 : i32
    %sign3A_144 = arith.constant 0 : i32
    %sign3A_145 = arith.cmpi sgt, %arg1, %sign3A_144 : i32
    %sign3A_146 = arith.extui %sign3A_145 : i1 to i32
    %sign3A_147 = arith.constant 0 : i32
    %sign3A_148 = arith.cmpi slt, %arg1, %sign3A_147 : i32
    %sign3A_149 = arith.extui %sign3A_148 : i1 to i32
    %sign3A_150 = arith.subi %sign3A_146, %sign3A_149 : i32
    %sign3A_151 = arith.constant 0 : i32
    %sign3A_152 = arith.cmpi sgt, %jit3A_142, %sign3A_151 : i32
    %sign3A_153 = arith.extui %sign3A_152 : i1 to i32
    %sign3A_154 = arith.constant 0 : i32
    %sign3A_155 = arith.cmpi slt, %jit3A_142, %sign3A_154 : i32
    %sign3A_156 = arith.extui %sign3A_155 : i1 to i32
    %sign3A_157 = arith.subi %sign3A_153, %sign3A_156 : i32
    %ne3A_158 = arith.cmpi ne, %sign3A_150, %sign3A_157 : i32
    %rem3A_159 = arith.remsi %arg1, %jit3A_142 : i32
    %ne3A_160 = arith.constant 0 : i32
    %ne3A_161 = arith.cmpi ne, %rem3A_159, %ne3A_160 : i32
    %and3A_162 = arith.andi %ne3A_158, %ne3A_161 : i1
    %sub3A_163 = arith.constant 1 : i32
    %sub3A_164 = arith.subi %div3A_143, %sub3A_163 : i32
    %select_n3A_165 = arith.select %and3A_162, %sub3A_164, %div3A_143 : i32
    %add3A_166 = arith.constant 5 : i32
    %add3A_167 = arith.addi %select_n3A_165, %add3A_166 : i32
    %rem3A_168 = arith.constant 8 : i32
    %rem3A_169 = arith.remsi %add3A_167, %rem3A_168 : i32
    %mul3A_170 = arith.constant 8192 : i32
    %mul3A_171 = arith.muli %rem3A_169, %mul3A_170 : i32
    %jit3A_172 = arith.constant 2 : i32
    %div3A_173 = arith.divsi %arg1, %jit3A_172 : i32
    %sign3A_174 = arith.constant 0 : i32
    %sign3A_175 = arith.cmpi sgt, %arg1, %sign3A_174 : i32
    %sign3A_176 = arith.extui %sign3A_175 : i1 to i32
    %sign3A_177 = arith.constant 0 : i32
    %sign3A_178 = arith.cmpi slt, %arg1, %sign3A_177 : i32
    %sign3A_179 = arith.extui %sign3A_178 : i1 to i32
    %sign3A_180 = arith.subi %sign3A_176, %sign3A_179 : i32
    %sign3A_181 = arith.constant 0 : i32
    %sign3A_182 = arith.cmpi sgt, %jit3A_172, %sign3A_181 : i32
    %sign3A_183 = arith.extui %sign3A_182 : i1 to i32
    %sign3A_184 = arith.constant 0 : i32
    %sign3A_185 = arith.cmpi slt, %jit3A_172, %sign3A_184 : i32
    %sign3A_186 = arith.extui %sign3A_185 : i1 to i32
    %sign3A_187 = arith.subi %sign3A_183, %sign3A_186 : i32
    %ne3A_188 = arith.cmpi ne, %sign3A_180, %sign3A_187 : i32
    %rem3A_189 = arith.remsi %arg1, %jit3A_172 : i32
    %ne3A_190 = arith.constant 0 : i32
    %ne3A_191 = arith.cmpi ne, %rem3A_189, %ne3A_190 : i32
    %and3A_192 = arith.andi %ne3A_188, %ne3A_191 : i1
    %sub3A_193 = arith.constant 1 : i32
    %sub3A_194 = arith.subi %div3A_173, %sub3A_193 : i32
    %select_n3A_195 = arith.select %and3A_192, %sub3A_194, %div3A_173 : i32
    %add3A_196 = arith.constant 6 : i32
    %add3A_197 = arith.addi %select_n3A_195, %add3A_196 : i32
    %rem3A_198 = arith.constant 8 : i32
    %rem3A_199 = arith.remsi %add3A_197, %rem3A_198 : i32
    %mul3A_200 = arith.constant 8192 : i32
    %mul3A_201 = arith.muli %rem3A_199, %mul3A_200 : i32
    %jit3A_202 = arith.constant 2 : i32
    %div3A_203 = arith.divsi %arg1, %jit3A_202 : i32
    %sign3A_204 = arith.constant 0 : i32
    %sign3A_205 = arith.cmpi sgt, %arg1, %sign3A_204 : i32
    %sign3A_206 = arith.extui %sign3A_205 : i1 to i32
    %sign3A_207 = arith.constant 0 : i32
    %sign3A_208 = arith.cmpi slt, %arg1, %sign3A_207 : i32
    %sign3A_209 = arith.extui %sign3A_208 : i1 to i32
    %sign3A_210 = arith.subi %sign3A_206, %sign3A_209 : i32
    %sign3A_211 = arith.constant 0 : i32
    %sign3A_212 = arith.cmpi sgt, %jit3A_202, %sign3A_211 : i32
    %sign3A_213 = arith.extui %sign3A_212 : i1 to i32
    %sign3A_214 = arith.constant 0 : i32
    %sign3A_215 = arith.cmpi slt, %jit3A_202, %sign3A_214 : i32
    %sign3A_216 = arith.extui %sign3A_215 : i1 to i32
    %sign3A_217 = arith.subi %sign3A_213, %sign3A_216 : i32
    %ne3A_218 = arith.cmpi ne, %sign3A_210, %sign3A_217 : i32
    %rem3A_219 = arith.remsi %arg1, %jit3A_202 : i32
    %ne3A_220 = arith.constant 0 : i32
    %ne3A_221 = arith.cmpi ne, %rem3A_219, %ne3A_220 : i32
    %and3A_222 = arith.andi %ne3A_218, %ne3A_221 : i1
    %sub3A_223 = arith.constant 1 : i32
    %sub3A_224 = arith.subi %div3A_203, %sub3A_223 : i32
    %select_n3A_225 = arith.select %and3A_222, %sub3A_224, %div3A_203 : i32
    %add3A_226 = arith.constant 7 : i32
    %add3A_227 = arith.addi %select_n3A_225, %add3A_226 : i32
    %rem3A_228 = arith.constant 8 : i32
    %rem3A_229 = arith.remsi %add3A_227, %rem3A_228 : i32
    %mul3A_230 = arith.constant 8192 : i32
    %mul3A_231 = arith.muli %rem3A_229, %mul3A_230 : i32
    %dma_start3A = tpu.memref_slice %arg4[%mul3A_21] : memref<65536xi32, #tpu.memory_space<vmem>> -> memref<8192xi32, #tpu.memory_space<vmem>>
    %dma_start3A_232 = tpu.memref_slice %arg2[%mul3A_21] : memref<65536xi32, #tpu.memory_space<hbm>> -> memref<8192xi32, #tpu.memory_space<hbm>>
    %dma_start3A_233 = tpu.memref_slice %arg4[%mul3A_21] : memref<65536xi32, #tpu.memory_space<vmem>> -> memref<8192xi32, #tpu.memory_space<vmem>>
    %dma_start3A_234 = tpu.memref_slice %arg2[%mul3A_21] : memref<65536xi32, #tpu.memory_space<hbm>> -> memref<8192xi32, #tpu.memory_space<hbm>>
    tpu.enqueue_dma source(%dma_start3A_234 : memref<8192xi32, #tpu.memory_space<hbm>>) target(%dma_start3A_233 : memref<8192xi32, #tpu.memory_space<vmem>>) target_semaphore(%arg6 : memref<!tpu.dma_semaphore, #tpu.memory_space<semaphore_mem>>)
    %dma_start3A_235 = tpu.memref_slice %arg4[%mul3A_51] : memref<65536xi32, #tpu.memory_space<vmem>> -> memref<8192xi32, #tpu.memory_space<vmem>>
    %dma_start3A_236 = tpu.memref_slice %arg2[%mul3A_51] : memref<65536xi32, #tpu.memory_space<hbm>> -> memref<8192xi32, #tpu.memory_space<hbm>>
    %dma_start3A_237 = tpu.memref_slice %arg4[%mul3A_51] : memref<65536xi32, #tpu.memory_space<vmem>> -> memref<8192xi32, #tpu.memory_space<vmem>>
    %dma_start3A_238 = tpu.memref_slice %arg2[%mul3A_51] : memref<65536xi32, #tpu.memory_space<hbm>> -> memref<8192xi32, #tpu.memory_space<hbm>>
    tpu.enqueue_dma source(%dma_start3A_238 : memref<8192xi32, #tpu.memory_space<hbm>>) target(%dma_start3A_237 : memref<8192xi32, #tpu.memory_space<vmem>>) target_semaphore(%arg7 : memref<!tpu.dma_semaphore, #tpu.memory_space<semaphore_mem>>)
    %dma_start3A_239 = tpu.memref_slice %arg4[%mul3A_81] : memref<65536xi32, #tpu.memory_space<vmem>> -> memref<8192xi32, #tpu.memory_space<vmem>>
    %dma_start3A_240 = tpu.memref_slice %arg2[%mul3A_81] : memref<65536xi32, #tpu.memory_space<hbm>> -> memref<8192xi32, #tpu.memory_space<hbm>>
    %dma_start3A_241 = tpu.memref_slice %arg4[%mul3A_81] : memref<65536xi32, #tpu.memory_space<vmem>> -> memref<8192xi32, #tpu.memory_space<vmem>>
    %dma_start3A_242 = tpu.memref_slice %arg2[%mul3A_81] : memref<65536xi32, #tpu.memory_space<hbm>> -> memref<8192xi32, #tpu.memory_space<hbm>>
    tpu.enqueue_dma source(%dma_start3A_242 : memref<8192xi32, #tpu.memory_space<hbm>>) target(%dma_start3A_241 : memref<8192xi32, #tpu.memory_space<vmem>>) target_semaphore(%arg8 : memref<!tpu.dma_semaphore, #tpu.memory_space<semaphore_mem>>)
    %dma_start3A_243 = tpu.memref_slice %arg4[%mul3A_111] : memref<65536xi32, #tpu.memory_space<vmem>> -> memref<8192xi32, #tpu.memory_space<vmem>>
    %dma_start3A_244 = tpu.memref_slice %arg2[%mul3A_111] : memref<65536xi32, #tpu.memory_space<hbm>> -> memref<8192xi32, #tpu.memory_space<hbm>>
    %dma_start3A_245 = tpu.memref_slice %arg4[%mul3A_111] : memref<65536xi32, #tpu.memory_space<vmem>> -> memref<8192xi32, #tpu.memory_space<vmem>>
    %dma_start3A_246 = tpu.memref_slice %arg2[%mul3A_111] : memref<65536xi32, #tpu.memory_space<hbm>> -> memref<8192xi32, #tpu.memory_space<hbm>>
    tpu.enqueue_dma source(%dma_start3A_246 : memref<8192xi32, #tpu.memory_space<hbm>>) target(%dma_start3A_245 : memref<8192xi32, #tpu.memory_space<vmem>>) target_semaphore(%arg9 : memref<!tpu.dma_semaphore, #tpu.memory_space<semaphore_mem>>)
    %dma_start3A_247 = tpu.memref_slice %arg4[%mul3A_141] : memref<65536xi32, #tpu.memory_space<vmem>> -> memref<8192xi32, #tpu.memory_space<vmem>>
    %dma_start3A_248 = tpu.memref_slice %arg2[%mul3A_141] : memref<65536xi32, #tpu.memory_space<hbm>> -> memref<8192xi32, #tpu.memory_space<hbm>>
    %dma_start3A_249 = tpu.memref_slice %arg4[%mul3A_141] : memref<65536xi32, #tpu.memory_space<vmem>> -> memref<8192xi32, #tpu.memory_space<vmem>>
    %dma_start3A_250 = tpu.memref_slice %arg2[%mul3A_141] : memref<65536xi32, #tpu.memory_space<hbm>> -> memref<8192xi32, #tpu.memory_space<hbm>>
    tpu.enqueue_dma source(%dma_start3A_250 : memref<8192xi32, #tpu.memory_space<hbm>>) target(%dma_start3A_249 : memref<8192xi32, #tpu.memory_space<vmem>>) target_semaphore(%arg10 : memref<!tpu.dma_semaphore, #tpu.memory_space<semaphore_mem>>)
    %dma_start3A_251 = tpu.memref_slice %arg4[%mul3A_171] : memref<65536xi32, #tpu.memory_space<vmem>> -> memref<8192xi32, #tpu.memory_space<vmem>>
    %dma_start3A_252 = tpu.memref_slice %arg2[%mul3A_171] : memref<65536xi32, #tpu.memory_space<hbm>> -> memref<8192xi32, #tpu.memory_space<hbm>>
    %dma_start3A_253 = tpu.memref_slice %arg4[%mul3A_171] : memref<65536xi32, #tpu.memory_space<vmem>> -> memref<8192xi32, #tpu.memory_space<vmem>>
    %dma_start3A_254 = tpu.memref_slice %arg2[%mul3A_171] : memref<65536xi32, #tpu.memory_space<hbm>> -> memref<8192xi32, #tpu.memory_space<hbm>>
    tpu.enqueue_dma source(%dma_start3A_254 : memref<8192xi32, #tpu.memory_space<hbm>>) target(%dma_start3A_253 : memref<8192xi32, #tpu.memory_space<vmem>>) target_semaphore(%arg11 : memref<!tpu.dma_semaphore, #tpu.memory_space<semaphore_mem>>)
    %dma_start3A_255 = tpu.memref_slice %arg4[%mul3A_201] : memref<65536xi32, #tpu.memory_space<vmem>> -> memref<8192xi32, #tpu.memory_space<vmem>>
    %dma_start3A_256 = tpu.memref_slice %arg2[%mul3A_201] : memref<65536xi32, #tpu.memory_space<hbm>> -> memref<8192xi32, #tpu.memory_space<hbm>>
    %dma_start3A_257 = tpu.memref_slice %arg4[%mul3A_201] : memref<65536xi32, #tpu.memory_space<vmem>> -> memref<8192xi32, #tpu.memory_space<vmem>>
    %dma_start3A_258 = tpu.memref_slice %arg2[%mul3A_201] : memref<65536xi32, #tpu.memory_space<hbm>> -> memref<8192xi32, #tpu.memory_space<hbm>>
    tpu.enqueue_dma source(%dma_start3A_258 : memref<8192xi32, #tpu.memory_space<hbm>>) target(%dma_start3A_257 : memref<8192xi32, #tpu.memory_space<vmem>>) target_semaphore(%arg12 : memref<!tpu.dma_semaphore, #tpu.memory_space<semaphore_mem>>)
    %dma_start3A_259 = tpu.memref_slice %arg4[%mul3A_231] : memref<65536xi32, #tpu.memory_space<vmem>> -> memref<8192xi32, #tpu.memory_space<vmem>>
    %dma_start3A_260 = tpu.memref_slice %arg2[%mul3A_231] : memref<65536xi32, #tpu.memory_space<hbm>> -> memref<8192xi32, #tpu.memory_space<hbm>>
    %dma_start3A_261 = tpu.memref_slice %arg4[%mul3A_231] : memref<65536xi32, #tpu.memory_space<vmem>> -> memref<8192xi32, #tpu.memory_space<vmem>>
    %dma_start3A_262 = tpu.memref_slice %arg2[%mul3A_231] : memref<65536xi32, #tpu.memory_space<hbm>> -> memref<8192xi32, #tpu.memory_space<hbm>>
    tpu.enqueue_dma source(%dma_start3A_262 : memref<8192xi32, #tpu.memory_space<hbm>>) target(%dma_start3A_261 : memref<8192xi32, #tpu.memory_space<vmem>>) target_semaphore(%arg13 : memref<!tpu.dma_semaphore, #tpu.memory_space<semaphore_mem>>)
    %broadcast_in_dim3A = arith.constant 0.000000e+00 : f32
    %broadcast_in_dim3A_263 = vector.broadcast %broadcast_in_dim3A : f32 to vector<16xf32>
    %parallel_loop3A = arith.constant 0 : i32
    %parallel_loop3A_264 = arith.constant 3920 : i32
    %parallel_loop3A_265 = arith.constant 1 : i32
    scf.for %parallel_loop3A_329 = %parallel_loop3A to %parallel_loop3A_264 step %parallel_loop3A_265  : i32 {
      %parallel_loop3A_330 = arith.constant 16 : i32
      %parallel_loop3A_331 = arith.muli %parallel_loop3A_329, %parallel_loop3A_330 : i32
      %parallel_loop3A_332 = arith.index_cast %parallel_loop3A_331 : i32 to index
      %parallel_loop3A_333 = tpu.vector_load %arg5[%parallel_loop3A_332] {strides = array<i32>} : memref<62720xf32, #tpu.memory_space<vmem>>, vector<16xf32>,
      tpu.vector_store %arg5[%parallel_loop3A_332], %broadcast_in_dim3A_263 {strides = array<i32>} : memref<62720xf32, #tpu.memory_space<vmem>>, vector<16xf32>,
    } {sc.loop_unroll_factor = 8 : i64, sc.parallel_access}
    %broadcast_in_dim3A_266 = arith.constant 1.000000e+00 : f32
    %broadcast_in_dim3A_267 = vector.broadcast %broadcast_in_dim3A_266 : f32 to vector<16xf32>
    %dma_wait3A = tpu.memref_slice %arg4[%mul3A_21] : memref<65536xi32, #tpu.memory_space<vmem>> -> memref<8192xi32, #tpu.memory_space<vmem>>
    %dma_wait3A_268 = tpu.memref_slice %arg2[%mul3A_21] : memref<65536xi32, #tpu.memory_space<hbm>> -> memref<8192xi32, #tpu.memory_space<hbm>>
    %dma_wait3A_269 = tpu.memref_slice %arg4[%mul3A_21] : memref<65536xi32, #tpu.memory_space<vmem>> -> memref<8192xi32, #tpu.memory_space<vmem>>
    %dma_wait3A_270 = tpu.memref_slice %arg2[%mul3A_21] : memref<65536xi32, #tpu.memory_space<hbm>> -> memref<8192xi32, #tpu.memory_space<hbm>>
    tpu.wait_dma2 semaphore(%arg6 : memref<!tpu.dma_semaphore, #tpu.memory_space<semaphore_mem>>) src(%dma_wait3A_270 : memref<8192xi32, #tpu.memory_space<hbm>>) dst(%dma_wait3A_269 : memref<8192xi32, #tpu.memory_space<vmem>>)
    %parallel_loop3A_271 = arith.constant 0 : i32
    %parallel_loop3A_272 = arith.constant 512 : i32
    %parallel_loop3A_273 = arith.constant 1 : i32
    scf.for %parallel_loop3A_329 = %parallel_loop3A_271 to %parallel_loop3A_272 step %parallel_loop3A_273  : i32 {
      %parallel_loop3A_330 = arith.constant 16 : i32
      %parallel_loop3A_331 = arith.muli %parallel_loop3A_329, %parallel_loop3A_330 : i32
      %parallel_loop3A_332 = arith.addi %mul3A_21, %parallel_loop3A_331 : i32
      %parallel_loop3A_333 = arith.index_cast %parallel_loop3A_332 : i32 to index
      %parallel_loop3A_334 = tpu.vector_load %arg4[%parallel_loop3A_333] {strides = array<i32>} : memref<65536xi32, #tpu.memory_space<vmem>>, vector<16xi32>,
      %parallel_loop3A_335 = vector.broadcast %mul3A_0 : i32 to vector<16xi32>
      %parallel_loop3A_336 = arith.subi %parallel_loop3A_334, %parallel_loop3A_335 : vector<16xi32>
      %parallel_loop3A_337 = vector.bitcast %parallel_loop3A_336 : vector<16xi32> to vector<16xi32>
      %parallel_loop3A_338 = arith.constant 62720 : i32
      %parallel_loop3A_339 = vector.broadcast %parallel_loop3A_338 : i32 to vector<16xi32>
      %parallel_loop3A_340 = arith.cmpi ult, %parallel_loop3A_337, %parallel_loop3A_339 : vector<16xi32>
      tpu.vector_store_idx %arg5[%parallel_loop3A_336], %broadcast_in_dim3A_267 masked %parallel_loop3A_340 : memref<62720xf32, #tpu.memory_space<vmem>>[vector<16xi32>], vector<16xf32>, vector<16xi1>
    } {sc.loop_unroll_factor = 16 : i64, sc.parallel_access}
    %dma_wait3A_274 = tpu.memref_slice %arg4[%mul3A_51] : memref<65536xi32, #tpu.memory_space<vmem>> -> memref<8192xi32, #tpu.memory_space<vmem>>
    %dma_wait3A_275 = tpu.memref_slice %arg2[%mul3A_51] : memref<65536xi32, #tpu.memory_space<hbm>> -> memref<8192xi32, #tpu.memory_space<hbm>>
    %dma_wait3A_276 = tpu.memref_slice %arg4[%mul3A_51] : memref<65536xi32, #tpu.memory_space<vmem>> -> memref<8192xi32, #tpu.memory_space<vmem>>
    %dma_wait3A_277 = tpu.memref_slice %arg2[%mul3A_51] : memref<65536xi32, #tpu.memory_space<hbm>> -> memref<8192xi32, #tpu.memory_space<hbm>>
    tpu.wait_dma2 semaphore(%arg7 : memref<!tpu.dma_semaphore, #tpu.memory_space<semaphore_mem>>) src(%dma_wait3A_277 : memref<8192xi32, #tpu.memory_space<hbm>>) dst(%dma_wait3A_276 : memref<8192xi32, #tpu.memory_space<vmem>>)
    %parallel_loop3A_278 = arith.constant 0 : i32
    %parallel_loop3A_279 = arith.constant 512 : i32
    %parallel_loop3A_280 = arith.constant 1 : i32
    scf.for %parallel_loop3A_329 = %parallel_loop3A_278 to %parallel_loop3A_279 step %parallel_loop3A_280  : i32 {
      %parallel_loop3A_330 = arith.constant 16 : i32
      %parallel_loop3A_331 = arith.muli %parallel_loop3A_329, %parallel_loop3A_330 : i32
      %parallel_loop3A_332 = arith.addi %mul3A_51, %parallel_loop3A_331 : i32
      %parallel_loop3A_333 = arith.index_cast %parallel_loop3A_332 : i32 to index
      %parallel_loop3A_334 = tpu.vector_load %arg4[%parallel_loop3A_333] {strides = array<i32>} : memref<65536xi32, #tpu.memory_space<vmem>>, vector<16xi32>,
      %parallel_loop3A_335 = vector.broadcast %mul3A_0 : i32 to vector<16xi32>
      %parallel_loop3A_336 = arith.subi %parallel_loop3A_334, %parallel_loop3A_335 : vector<16xi32>
      %parallel_loop3A_337 = vector.bitcast %parallel_loop3A_336 : vector<16xi32> to vector<16xi32>
      %parallel_loop3A_338 = arith.constant 62720 : i32
      %parallel_loop3A_339 = vector.broadcast %parallel_loop3A_338 : i32 to vector<16xi32>
      %parallel_loop3A_340 = arith.cmpi ult, %parallel_loop3A_337, %parallel_loop3A_339 : vector<16xi32>
      tpu.vector_store_idx %arg5[%parallel_loop3A_336], %broadcast_in_dim3A_267 masked %parallel_loop3A_340 : memref<62720xf32, #tpu.memory_space<vmem>>[vector<16xi32>], vector<16xf32>, vector<16xi1>
    } {sc.loop_unroll_factor = 16 : i64, sc.parallel_access}
    %dma_wait3A_281 = tpu.memref_slice %arg4[%mul3A_81] : memref<65536xi32, #tpu.memory_space<vmem>> -> memref<8192xi32, #tpu.memory_space<vmem>>
    %dma_wait3A_282 = tpu.memref_slice %arg2[%mul3A_81] : memref<65536xi32, #tpu.memory_space<hbm>> -> memref<8192xi32, #tpu.memory_space<hbm>>
    %dma_wait3A_283 = tpu.memref_slice %arg4[%mul3A_81] : memref<65536xi32, #tpu.memory_space<vmem>> -> memref<8192xi32, #tpu.memory_space<vmem>>
    %dma_wait3A_284 = tpu.memref_slice %arg2[%mul3A_81] : memref<65536xi32, #tpu.memory_space<hbm>> -> memref<8192xi32, #tpu.memory_space<hbm>>
    tpu.wait_dma2 semaphore(%arg8 : memref<!tpu.dma_semaphore, #tpu.memory_space<semaphore_mem>>) src(%dma_wait3A_284 : memref<8192xi32, #tpu.memory_space<hbm>>) dst(%dma_wait3A_283 : memref<8192xi32, #tpu.memory_space<vmem>>)
    %parallel_loop3A_285 = arith.constant 0 : i32
    %parallel_loop3A_286 = arith.constant 512 : i32
    %parallel_loop3A_287 = arith.constant 1 : i32
    scf.for %parallel_loop3A_329 = %parallel_loop3A_285 to %parallel_loop3A_286 step %parallel_loop3A_287  : i32 {
      %parallel_loop3A_330 = arith.constant 16 : i32
      %parallel_loop3A_331 = arith.muli %parallel_loop3A_329, %parallel_loop3A_330 : i32
      %parallel_loop3A_332 = arith.addi %mul3A_81, %parallel_loop3A_331 : i32
      %parallel_loop3A_333 = arith.index_cast %parallel_loop3A_332 : i32 to index
      %parallel_loop3A_334 = tpu.vector_load %arg4[%parallel_loop3A_333] {strides = array<i32>} : memref<65536xi32, #tpu.memory_space<vmem>>, vector<16xi32>,
      %parallel_loop3A_335 = vector.broadcast %mul3A_0 : i32 to vector<16xi32>
      %parallel_loop3A_336 = arith.subi %parallel_loop3A_334, %parallel_loop3A_335 : vector<16xi32>
      %parallel_loop3A_337 = vector.bitcast %parallel_loop3A_336 : vector<16xi32> to vector<16xi32>
      %parallel_loop3A_338 = arith.constant 62720 : i32
      %parallel_loop3A_339 = vector.broadcast %parallel_loop3A_338 : i32 to vector<16xi32>
      %parallel_loop3A_340 = arith.cmpi ult, %parallel_loop3A_337, %parallel_loop3A_339 : vector<16xi32>
      tpu.vector_store_idx %arg5[%parallel_loop3A_336], %broadcast_in_dim3A_267 masked %parallel_loop3A_340 : memref<62720xf32, #tpu.memory_space<vmem>>[vector<16xi32>], vector<16xf32>, vector<16xi1>
    } {sc.loop_unroll_factor = 16 : i64, sc.parallel_access}
    %dma_wait3A_288 = tpu.memref_slice %arg4[%mul3A_111] : memref<65536xi32, #tpu.memory_space<vmem>> -> memref<8192xi32, #tpu.memory_space<vmem>>
    %dma_wait3A_289 = tpu.memref_slice %arg2[%mul3A_111] : memref<65536xi32, #tpu.memory_space<hbm>> -> memref<8192xi32, #tpu.memory_space<hbm>>
    %dma_wait3A_290 = tpu.memref_slice %arg4[%mul3A_111] : memref<65536xi32, #tpu.memory_space<vmem>> -> memref<8192xi32, #tpu.memory_space<vmem>>
    %dma_wait3A_291 = tpu.memref_slice %arg2[%mul3A_111] : memref<65536xi32, #tpu.memory_space<hbm>> -> memref<8192xi32, #tpu.memory_space<hbm>>
    tpu.wait_dma2 semaphore(%arg9 : memref<!tpu.dma_semaphore, #tpu.memory_space<semaphore_mem>>) src(%dma_wait3A_291 : memref<8192xi32, #tpu.memory_space<hbm>>) dst(%dma_wait3A_290 : memref<8192xi32, #tpu.memory_space<vmem>>)
    %parallel_loop3A_292 = arith.constant 0 : i32
    %parallel_loop3A_293 = arith.constant 512 : i32
    %parallel_loop3A_294 = arith.constant 1 : i32
    scf.for %parallel_loop3A_329 = %parallel_loop3A_292 to %parallel_loop3A_293 step %parallel_loop3A_294  : i32 {
      %parallel_loop3A_330 = arith.constant 16 : i32
      %parallel_loop3A_331 = arith.muli %parallel_loop3A_329, %parallel_loop3A_330 : i32
      %parallel_loop3A_332 = arith.addi %mul3A_111, %parallel_loop3A_331 : i32
      %parallel_loop3A_333 = arith.index_cast %parallel_loop3A_332 : i32 to index
      %parallel_loop3A_334 = tpu.vector_load %arg4[%parallel_loop3A_333] {strides = array<i32>} : memref<65536xi32, #tpu.memory_space<vmem>>, vector<16xi32>,
      %parallel_loop3A_335 = vector.broadcast %mul3A_0 : i32 to vector<16xi32>
      %parallel_loop3A_336 = arith.subi %parallel_loop3A_334, %parallel_loop3A_335 : vector<16xi32>
      %parallel_loop3A_337 = vector.bitcast %parallel_loop3A_336 : vector<16xi32> to vector<16xi32>
      %parallel_loop3A_338 = arith.constant 62720 : i32
      %parallel_loop3A_339 = vector.broadcast %parallel_loop3A_338 : i32 to vector<16xi32>
      %parallel_loop3A_340 = arith.cmpi ult, %parallel_loop3A_337, %parallel_loop3A_339 : vector<16xi32>
      tpu.vector_store_idx %arg5[%parallel_loop3A_336], %broadcast_in_dim3A_267 masked %parallel_loop3A_340 : memref<62720xf32, #tpu.memory_space<vmem>>[vector<16xi32>], vector<16xf32>, vector<16xi1>
    } {sc.loop_unroll_factor = 16 : i64, sc.parallel_access}
    %dma_wait3A_295 = tpu.memref_slice %arg4[%mul3A_141] : memref<65536xi32, #tpu.memory_space<vmem>> -> memref<8192xi32, #tpu.memory_space<vmem>>
    %dma_wait3A_296 = tpu.memref_slice %arg2[%mul3A_141] : memref<65536xi32, #tpu.memory_space<hbm>> -> memref<8192xi32, #tpu.memory_space<hbm>>
    %dma_wait3A_297 = tpu.memref_slice %arg4[%mul3A_141] : memref<65536xi32, #tpu.memory_space<vmem>> -> memref<8192xi32, #tpu.memory_space<vmem>>
    %dma_wait3A_298 = tpu.memref_slice %arg2[%mul3A_141] : memref<65536xi32, #tpu.memory_space<hbm>> -> memref<8192xi32, #tpu.memory_space<hbm>>
    tpu.wait_dma2 semaphore(%arg10 : memref<!tpu.dma_semaphore, #tpu.memory_space<semaphore_mem>>) src(%dma_wait3A_298 : memref<8192xi32, #tpu.memory_space<hbm>>) dst(%dma_wait3A_297 : memref<8192xi32, #tpu.memory_space<vmem>>)
    %parallel_loop3A_299 = arith.constant 0 : i32
    %parallel_loop3A_300 = arith.constant 512 : i32
    %parallel_loop3A_301 = arith.constant 1 : i32
    scf.for %parallel_loop3A_329 = %parallel_loop3A_299 to %parallel_loop3A_300 step %parallel_loop3A_301  : i32 {
      %parallel_loop3A_330 = arith.constant 16 : i32
      %parallel_loop3A_331 = arith.muli %parallel_loop3A_329, %parallel_loop3A_330 : i32
      %parallel_loop3A_332 = arith.addi %mul3A_141, %parallel_loop3A_331 : i32
      %parallel_loop3A_333 = arith.index_cast %parallel_loop3A_332 : i32 to index
      %parallel_loop3A_334 = tpu.vector_load %arg4[%parallel_loop3A_333] {strides = array<i32>} : memref<65536xi32, #tpu.memory_space<vmem>>, vector<16xi32>,
      %parallel_loop3A_335 = vector.broadcast %mul3A_0 : i32 to vector<16xi32>
      %parallel_loop3A_336 = arith.subi %parallel_loop3A_334, %parallel_loop3A_335 : vector<16xi32>
      %parallel_loop3A_337 = vector.bitcast %parallel_loop3A_336 : vector<16xi32> to vector<16xi32>
      %parallel_loop3A_338 = arith.constant 62720 : i32
      %parallel_loop3A_339 = vector.broadcast %parallel_loop3A_338 : i32 to vector<16xi32>
      %parallel_loop3A_340 = arith.cmpi ult, %parallel_loop3A_337, %parallel_loop3A_339 : vector<16xi32>
      tpu.vector_store_idx %arg5[%parallel_loop3A_336], %broadcast_in_dim3A_267 masked %parallel_loop3A_340 : memref<62720xf32, #tpu.memory_space<vmem>>[vector<16xi32>], vector<16xf32>, vector<16xi1>
    } {sc.loop_unroll_factor = 16 : i64, sc.parallel_access}
    %dma_wait3A_302 = tpu.memref_slice %arg4[%mul3A_171] : memref<65536xi32, #tpu.memory_space<vmem>> -> memref<8192xi32, #tpu.memory_space<vmem>>
    %dma_wait3A_303 = tpu.memref_slice %arg2[%mul3A_171] : memref<65536xi32, #tpu.memory_space<hbm>> -> memref<8192xi32, #tpu.memory_space<hbm>>
    %dma_wait3A_304 = tpu.memref_slice %arg4[%mul3A_171] : memref<65536xi32, #tpu.memory_space<vmem>> -> memref<8192xi32, #tpu.memory_space<vmem>>
    %dma_wait3A_305 = tpu.memref_slice %arg2[%mul3A_171] : memref<65536xi32, #tpu.memory_space<hbm>> -> memref<8192xi32, #tpu.memory_space<hbm>>
    tpu.wait_dma2 semaphore(%arg11 : memref<!tpu.dma_semaphore, #tpu.memory_space<semaphore_mem>>) src(%dma_wait3A_305 : memref<8192xi32, #tpu.memory_space<hbm>>) dst(%dma_wait3A_304 : memref<8192xi32, #tpu.memory_space<vmem>>)
    %parallel_loop3A_306 = arith.constant 0 : i32
    %parallel_loop3A_307 = arith.constant 512 : i32
    %parallel_loop3A_308 = arith.constant 1 : i32
    scf.for %parallel_loop3A_329 = %parallel_loop3A_306 to %parallel_loop3A_307 step %parallel_loop3A_308  : i32 {
      %parallel_loop3A_330 = arith.constant 16 : i32
      %parallel_loop3A_331 = arith.muli %parallel_loop3A_329, %parallel_loop3A_330 : i32
      %parallel_loop3A_332 = arith.addi %mul3A_171, %parallel_loop3A_331 : i32
      %parallel_loop3A_333 = arith.index_cast %parallel_loop3A_332 : i32 to index
      %parallel_loop3A_334 = tpu.vector_load %arg4[%parallel_loop3A_333] {strides = array<i32>} : memref<65536xi32, #tpu.memory_space<vmem>>, vector<16xi32>,
      %parallel_loop3A_335 = vector.broadcast %mul3A_0 : i32 to vector<16xi32>
      %parallel_loop3A_336 = arith.subi %parallel_loop3A_334, %parallel_loop3A_335 : vector<16xi32>
      %parallel_loop3A_337 = vector.bitcast %parallel_loop3A_336 : vector<16xi32> to vector<16xi32>
      %parallel_loop3A_338 = arith.constant 62720 : i32
      %parallel_loop3A_339 = vector.broadcast %parallel_loop3A_338 : i32 to vector<16xi32>
      %parallel_loop3A_340 = arith.cmpi ult, %parallel_loop3A_337, %parallel_loop3A_339 : vector<16xi32>
      tpu.vector_store_idx %arg5[%parallel_loop3A_336], %broadcast_in_dim3A_267 masked %parallel_loop3A_340 : memref<62720xf32, #tpu.memory_space<vmem>>[vector<16xi32>], vector<16xf32>, vector<16xi1>
    } {sc.loop_unroll_factor = 16 : i64, sc.parallel_access}
    %dma_wait3A_309 = tpu.memref_slice %arg4[%mul3A_201] : memref<65536xi32, #tpu.memory_space<vmem>> -> memref<8192xi32, #tpu.memory_space<vmem>>
    %dma_wait3A_310 = tpu.memref_slice %arg2[%mul3A_201] : memref<65536xi32, #tpu.memory_space<hbm>> -> memref<8192xi32, #tpu.memory_space<hbm>>
    %dma_wait3A_311 = tpu.memref_slice %arg4[%mul3A_201] : memref<65536xi32, #tpu.memory_space<vmem>> -> memref<8192xi32, #tpu.memory_space<vmem>>
    %dma_wait3A_312 = tpu.memref_slice %arg2[%mul3A_201] : memref<65536xi32, #tpu.memory_space<hbm>> -> memref<8192xi32, #tpu.memory_space<hbm>>
    tpu.wait_dma2 semaphore(%arg12 : memref<!tpu.dma_semaphore, #tpu.memory_space<semaphore_mem>>) src(%dma_wait3A_312 : memref<8192xi32, #tpu.memory_space<hbm>>) dst(%dma_wait3A_311 : memref<8192xi32, #tpu.memory_space<vmem>>)
    %parallel_loop3A_313 = arith.constant 0 : i32
    %parallel_loop3A_314 = arith.constant 512 : i32
    %parallel_loop3A_315 = arith.constant 1 : i32
    scf.for %parallel_loop3A_329 = %parallel_loop3A_313 to %parallel_loop3A_314 step %parallel_loop3A_315  : i32 {
      %parallel_loop3A_330 = arith.constant 16 : i32
      %parallel_loop3A_331 = arith.muli %parallel_loop3A_329, %parallel_loop3A_330 : i32
      %parallel_loop3A_332 = arith.addi %mul3A_201, %parallel_loop3A_331 : i32
      %parallel_loop3A_333 = arith.index_cast %parallel_loop3A_332 : i32 to index
      %parallel_loop3A_334 = tpu.vector_load %arg4[%parallel_loop3A_333] {strides = array<i32>} : memref<65536xi32, #tpu.memory_space<vmem>>, vector<16xi32>,
      %parallel_loop3A_335 = vector.broadcast %mul3A_0 : i32 to vector<16xi32>
      %parallel_loop3A_336 = arith.subi %parallel_loop3A_334, %parallel_loop3A_335 : vector<16xi32>
      %parallel_loop3A_337 = vector.bitcast %parallel_loop3A_336 : vector<16xi32> to vector<16xi32>
      %parallel_loop3A_338 = arith.constant 62720 : i32
      %parallel_loop3A_339 = vector.broadcast %parallel_loop3A_338 : i32 to vector<16xi32>
      %parallel_loop3A_340 = arith.cmpi ult, %parallel_loop3A_337, %parallel_loop3A_339 : vector<16xi32>
      tpu.vector_store_idx %arg5[%parallel_loop3A_336], %broadcast_in_dim3A_267 masked %parallel_loop3A_340 : memref<62720xf32, #tpu.memory_space<vmem>>[vector<16xi32>], vector<16xf32>, vector<16xi1>
    } {sc.loop_unroll_factor = 16 : i64, sc.parallel_access}
    %dma_wait3A_316 = tpu.memref_slice %arg4[%mul3A_231] : memref<65536xi32, #tpu.memory_space<vmem>> -> memref<8192xi32, #tpu.memory_space<vmem>>
    %dma_wait3A_317 = tpu.memref_slice %arg2[%mul3A_231] : memref<65536xi32, #tpu.memory_space<hbm>> -> memref<8192xi32, #tpu.memory_space<hbm>>
    %dma_wait3A_318 = tpu.memref_slice %arg4[%mul3A_231] : memref<65536xi32, #tpu.memory_space<vmem>> -> memref<8192xi32, #tpu.memory_space<vmem>>
    %dma_wait3A_319 = tpu.memref_slice %arg2[%mul3A_231] : memref<65536xi32, #tpu.memory_space<hbm>> -> memref<8192xi32, #tpu.memory_space<hbm>>
    tpu.wait_dma2 semaphore(%arg13 : memref<!tpu.dma_semaphore, #tpu.memory_space<semaphore_mem>>) src(%dma_wait3A_319 : memref<8192xi32, #tpu.memory_space<hbm>>) dst(%dma_wait3A_318 : memref<8192xi32, #tpu.memory_space<vmem>>)
    %parallel_loop3A_320 = arith.constant 0 : i32
    %parallel_loop3A_321 = arith.constant 512 : i32
    %parallel_loop3A_322 = arith.constant 1 : i32
    scf.for %parallel_loop3A_329 = %parallel_loop3A_320 to %parallel_loop3A_321 step %parallel_loop3A_322  : i32 {
      %parallel_loop3A_330 = arith.constant 16 : i32
      %parallel_loop3A_331 = arith.muli %parallel_loop3A_329, %parallel_loop3A_330 : i32
      %parallel_loop3A_332 = arith.addi %mul3A_231, %parallel_loop3A_331 : i32
      %parallel_loop3A_333 = arith.index_cast %parallel_loop3A_332 : i32 to index
      %parallel_loop3A_334 = tpu.vector_load %arg4[%parallel_loop3A_333] {strides = array<i32>} : memref<65536xi32, #tpu.memory_space<vmem>>, vector<16xi32>,
      %parallel_loop3A_335 = vector.broadcast %mul3A_0 : i32 to vector<16xi32>
      %parallel_loop3A_336 = arith.subi %parallel_loop3A_334, %parallel_loop3A_335 : vector<16xi32>
      %parallel_loop3A_337 = vector.bitcast %parallel_loop3A_336 : vector<16xi32> to vector<16xi32>
      %parallel_loop3A_338 = arith.constant 62720 : i32
      %parallel_loop3A_339 = vector.broadcast %parallel_loop3A_338 : i32 to vector<16xi32>
      %parallel_loop3A_340 = arith.cmpi ult, %parallel_loop3A_337, %parallel_loop3A_339 : vector<16xi32>
      tpu.vector_store_idx %arg5[%parallel_loop3A_336], %broadcast_in_dim3A_267 masked %parallel_loop3A_340 : memref<62720xf32, #tpu.memory_space<vmem>>[vector<16xi32>], vector<16xf32>, vector<16xi1>
    } {sc.loop_unroll_factor = 16 : i64, sc.parallel_access}
    %lt3A = arith.constant 15 : i32
    %lt3A_323 = arith.cmpi slt, %arg1, %lt3A : i32
    %convert_element_type3A = arith.extui %lt3A_323 : i1 to i32
    %cond3A = arith.constant 0 : i32
    %cond3A_324 = arith.cmpi ne, %convert_element_type3A, %cond3A : i32
    scf.if %cond3A_324 {
      %add3A_329 = arith.constant 0 : i32
      %add3A_330 = arith.addi %mul3A_0, %add3A_329 : i32
      %dma_start3A_331 = arith.constant 0 : i32
      %dma_start3A_332 = tpu.memref_slice %arg5[%dma_start3A_331] : memref<62720xf32, #tpu.memory_space<vmem>> -> memref<15680xf32, #tpu.memory_space<vmem>>
      %dma_start3A_333 = tpu.memref_slice %arg3[%add3A_330] : memref<1000000xf32, #tpu.memory_space<hbm>> -> memref<15680xf32, #tpu.memory_space<hbm>>
      %dma_start3A_334 = tpu.memref_slice %arg3[%add3A_330] : memref<1000000xf32, #tpu.memory_space<hbm>> -> memref<15680xf32, #tpu.memory_space<hbm>>
      %dma_start3A_335 = arith.constant 0 : i32
      %dma_start3A_336 = tpu.memref_slice %arg5[%dma_start3A_335] : memref<62720xf32, #tpu.memory_space<vmem>> -> memref<15680xf32, #tpu.memory_space<vmem>>
      tpu.enqueue_dma source(%dma_start3A_336 : memref<15680xf32, #tpu.memory_space<vmem>>) target(%dma_start3A_334 : memref<15680xf32, #tpu.memory_space<hbm>>) target_semaphore(%arg6 : memref<!tpu.dma_semaphore, #tpu.memory_space<semaphore_mem>>)
      %add3A_337 = arith.constant 15680 : i32
      %add3A_338 = arith.addi %mul3A_0, %add3A_337 : i32
      %dma_start3A_339 = arith.constant 15680 : i32
      %dma_start3A_340 = tpu.memref_slice %arg5[%dma_start3A_339] : memref<62720xf32, #tpu.memory_space<vmem>> -> memref<15680xf32, #tpu.memory_space<vmem>>
      %dma_start3A_341 = tpu.memref_slice %arg3[%add3A_338] : memref<1000000xf32, #tpu.memory_space<hbm>> -> memref<15680xf32, #tpu.memory_space<hbm>>
      %dma_start3A_342 = tpu.memref_slice %arg3[%add3A_338] : memref<1000000xf32, #tpu.memory_space<hbm>> -> memref<15680xf32, #tpu.memory_space<hbm>>
      %dma_start3A_343 = arith.constant 15680 : i32
      %dma_start3A_344 = tpu.memref_slice %arg5[%dma_start3A_343] : memref<62720xf32, #tpu.memory_space<vmem>> -> memref<15680xf32, #tpu.memory_space<vmem>>
      tpu.enqueue_dma source(%dma_start3A_344 : memref<15680xf32, #tpu.memory_space<vmem>>) target(%dma_start3A_342 : memref<15680xf32, #tpu.memory_space<hbm>>) target_semaphore(%arg7 : memref<!tpu.dma_semaphore, #tpu.memory_space<semaphore_mem>>)
      %add3A_345 = arith.constant 31360 : i32
      %add3A_346 = arith.addi %mul3A_0, %add3A_345 : i32
      %dma_start3A_347 = arith.constant 31360 : i32
      %dma_start3A_348 = tpu.memref_slice %arg5[%dma_start3A_347] : memref<62720xf32, #tpu.memory_space<vmem>> -> memref<15680xf32, #tpu.memory_space<vmem>>
      %dma_start3A_349 = tpu.memref_slice %arg3[%add3A_346] : memref<1000000xf32, #tpu.memory_space<hbm>> -> memref<15680xf32, #tpu.memory_space<hbm>>
      %dma_start3A_350 = tpu.memref_slice %arg3[%add3A_346] : memref<1000000xf32, #tpu.memory_space<hbm>> -> memref<15680xf32, #tpu.memory_space<hbm>>
      %dma_start3A_351 = arith.constant 31360 : i32
      %dma_start3A_352 = tpu.memref_slice %arg5[%dma_start3A_351] : memref<62720xf32, #tpu.memory_space<vmem>> -> memref<15680xf32, #tpu.memory_space<vmem>>
      tpu.enqueue_dma source(%dma_start3A_352 : memref<15680xf32, #tpu.memory_space<vmem>>) target(%dma_start3A_350 : memref<15680xf32, #tpu.memory_space<hbm>>) target_semaphore(%arg8 : memref<!tpu.dma_semaphore, #tpu.memory_space<semaphore_mem>>)
      %add3A_353 = arith.constant 47040 : i32
      %add3A_354 = arith.addi %mul3A_0, %add3A_353 : i32
      %dma_start3A_355 = arith.constant 47040 : i32
      %dma_start3A_356 = tpu.memref_slice %arg5[%dma_start3A_355] : memref<62720xf32, #tpu.memory_space<vmem>> -> memref<15680xf32, #tpu.memory_space<vmem>>
      %dma_start3A_357 = tpu.memref_slice %arg3[%add3A_354] : memref<1000000xf32, #tpu.memory_space<hbm>> -> memref<15680xf32, #tpu.memory_space<hbm>>
      %dma_start3A_358 = tpu.memref_slice %arg3[%add3A_354] : memref<1000000xf32, #tpu.memory_space<hbm>> -> memref<15680xf32, #tpu.memory_space<hbm>>
      %dma_start3A_359 = arith.constant 47040 : i32
      %dma_start3A_360 = tpu.memref_slice %arg5[%dma_start3A_359] : memref<62720xf32, #tpu.memory_space<vmem>> -> memref<15680xf32, #tpu.memory_space<vmem>>
      tpu.enqueue_dma source(%dma_start3A_360 : memref<15680xf32, #tpu.memory_space<vmem>>) target(%dma_start3A_358 : memref<15680xf32, #tpu.memory_space<hbm>>) target_semaphore(%arg9 : memref<!tpu.dma_semaphore, #tpu.memory_space<semaphore_mem>>)
      %dma_wait3A_361 = arith.constant 0 : i32
      %dma_wait3A_362 = tpu.memref_slice %arg5[%dma_wait3A_361] : memref<62720xf32, #tpu.memory_space<vmem>> -> memref<15680xf32, #tpu.memory_space<vmem>>
      %dma_wait3A_363 = tpu.memref_slice %arg3[%add3A_330] : memref<1000000xf32, #tpu.memory_space<hbm>> -> memref<15680xf32, #tpu.memory_space<hbm>>
      %dma_wait3A_364 = tpu.memref_slice %arg3[%add3A_330] : memref<1000000xf32, #tpu.memory_space<hbm>> -> memref<15680xf32, #tpu.memory_space<hbm>>
      %dma_wait3A_365 = arith.constant 0 : i32
      %dma_wait3A_366 = tpu.memref_slice %arg5[%dma_wait3A_365] : memref<62720xf32, #tpu.memory_space<vmem>> -> memref<15680xf32, #tpu.memory_space<vmem>>
      tpu.wait_dma2 semaphore(%arg6 : memref<!tpu.dma_semaphore, #tpu.memory_space<semaphore_mem>>) src(%dma_wait3A_366 : memref<15680xf32, #tpu.memory_space<vmem>>) dst(%dma_wait3A_364 : memref<15680xf32, #tpu.memory_space<hbm>>)
      %dma_wait3A_367 = arith.constant 15680 : i32
      %dma_wait3A_368 = tpu.memref_slice %arg5[%dma_wait3A_367] : memref<62720xf32, #tpu.memory_space<vmem>> -> memref<15680xf32, #tpu.memory_space<vmem>>
      %dma_wait3A_369 = tpu.memref_slice %arg3[%add3A_338] : memref<1000000xf32, #tpu.memory_space<hbm>> -> memref<15680xf32, #tpu.memory_space<hbm>>
      %dma_wait3A_370 = tpu.memref_slice %arg3[%add3A_338] : memref<1000000xf32, #tpu.memory_space<hbm>> -> memref<15680xf32, #tpu.memory_space<hbm>>
      %dma_wait3A_371 = arith.constant 15680 : i32
      %dma_wait3A_372 = tpu.memref_slice %arg5[%dma_wait3A_371] : memref<62720xf32, #tpu.memory_space<vmem>> -> memref<15680xf32, #tpu.memory_space<vmem>>
      tpu.wait_dma2 semaphore(%arg7 : memref<!tpu.dma_semaphore, #tpu.memory_space<semaphore_mem>>) src(%dma_wait3A_372 : memref<15680xf32, #tpu.memory_space<vmem>>) dst(%dma_wait3A_370 : memref<15680xf32, #tpu.memory_space<hbm>>)
      %dma_wait3A_373 = arith.constant 31360 : i32
      %dma_wait3A_374 = tpu.memref_slice %arg5[%dma_wait3A_373] : memref<62720xf32, #tpu.memory_space<vmem>> -> memref<15680xf32, #tpu.memory_space<vmem>>
      %dma_wait3A_375 = tpu.memref_slice %arg3[%add3A_346] : memref<1000000xf32, #tpu.memory_space<hbm>> -> memref<15680xf32, #tpu.memory_space<hbm>>
      %dma_wait3A_376 = tpu.memref_slice %arg3[%add3A_346] : memref<1000000xf32, #tpu.memory_space<hbm>> -> memref<15680xf32, #tpu.memory_space<hbm>>
      %dma_wait3A_377 = arith.constant 31360 : i32
      %dma_wait3A_378 = tpu.memref_slice %arg5[%dma_wait3A_377] : memref<62720xf32, #tpu.memory_space<vmem>> -> memref<15680xf32, #tpu.memory_space<vmem>>
      tpu.wait_dma2 semaphore(%arg8 : memref<!tpu.dma_semaphore, #tpu.memory_space<semaphore_mem>>) src(%dma_wait3A_378 : memref<15680xf32, #tpu.memory_space<vmem>>) dst(%dma_wait3A_376 : memref<15680xf32, #tpu.memory_space<hbm>>)
      %dma_wait3A_379 = arith.constant 47040 : i32
      %dma_wait3A_380 = tpu.memref_slice %arg5[%dma_wait3A_379] : memref<62720xf32, #tpu.memory_space<vmem>> -> memref<15680xf32, #tpu.memory_space<vmem>>
      %dma_wait3A_381 = tpu.memref_slice %arg3[%add3A_354] : memref<1000000xf32, #tpu.memory_space<hbm>> -> memref<15680xf32, #tpu.memory_space<hbm>>
      %dma_wait3A_382 = tpu.memref_slice %arg3[%add3A_354] : memref<1000000xf32, #tpu.memory_space<hbm>> -> memref<15680xf32, #tpu.memory_space<hbm>>
      %dma_wait3A_383 = arith.constant 47040 : i32
      %dma_wait3A_384 = tpu.memref_slice %arg5[%dma_wait3A_383] : memref<62720xf32, #tpu.memory_space<vmem>> -> memref<15680xf32, #tpu.memory_space<vmem>>
      tpu.wait_dma2 semaphore(%arg9 : memref<!tpu.dma_semaphore, #tpu.memory_space<semaphore_mem>>) src(%dma_wait3A_384 : memref<15680xf32, #tpu.memory_space<vmem>>) dst(%dma_wait3A_382 : memref<15680xf32, #tpu.memory_space<hbm>>)
    } else {
    }
    %eq3A = arith.constant 15 : i32
    %eq3A_325 = arith.cmpi eq, %arg1, %eq3A : i32
    %convert_element_type3A_326 = arith.extui %eq3A_325 : i1 to i32
    %cond3A_327 = arith.constant 0 : i32
    %cond3A_328 = arith.cmpi ne, %convert_element_type3A_326, %cond3A_327 : i32
    scf.if %cond3A_328 {
      %add3A_329 = arith.constant 0 : i32
      %add3A_330 = arith.addi %mul3A_0, %add3A_329 : i32
      %dma_start3A_331 = arith.constant 0 : i32
      %dma_start3A_332 = tpu.memref_slice %arg5[%dma_start3A_331] : memref<62720xf32, #tpu.memory_space<vmem>> -> memref<14800xf32, #tpu.memory_space<vmem>>
      %dma_start3A_333 = tpu.memref_slice %arg3[%add3A_330] : memref<1000000xf32, #tpu.memory_space<hbm>> -> memref<14800xf32, #tpu.memory_space<hbm>>
      %dma_start3A_334 = tpu.memref_slice %arg3[%add3A_330] : memref<1000000xf32, #tpu.memory_space<hbm>> -> memref<14800xf32, #tpu.memory_space<hbm>>
      %dma_start3A_335 = arith.constant 0 : i32
      %dma_start3A_336 = tpu.memref_slice %arg5[%dma_start3A_335] : memref<62720xf32, #tpu.memory_space<vmem>> -> memref<14800xf32, #tpu.memory_space<vmem>>
      tpu.enqueue_dma source(%dma_start3A_336 : memref<14800xf32, #tpu.memory_space<vmem>>) target(%dma_start3A_334 : memref<14800xf32, #tpu.memory_space<hbm>>) target_semaphore(%arg6 : memref<!tpu.dma_semaphore, #tpu.memory_space<semaphore_mem>>)
      %add3A_337 = arith.constant 14800 : i32
      %add3A_338 = arith.addi %mul3A_0, %add3A_337 : i32
      %dma_start3A_339 = arith.constant 14800 : i32
      %dma_start3A_340 = tpu.memref_slice %arg5[%dma_start3A_339] : memref<62720xf32, #tpu.memory_space<vmem>> -> memref<14800xf32, #tpu.memory_space<vmem>>
      %dma_start3A_341 = tpu.memref_slice %arg3[%add3A_338] : memref<1000000xf32, #tpu.memory_space<hbm>> -> memref<14800xf32, #tpu.memory_space<hbm>>
      %dma_start3A_342 = tpu.memref_slice %arg3[%add3A_338] : memref<1000000xf32, #tpu.memory_space<hbm>> -> memref<14800xf32, #tpu.memory_space<hbm>>
      %dma_start3A_343 = arith.constant 14800 : i32
      %dma_start3A_344 = tpu.memref_slice %arg5[%dma_start3A_343] : memref<62720xf32, #tpu.memory_space<vmem>> -> memref<14800xf32, #tpu.memory_space<vmem>>
      tpu.enqueue_dma source(%dma_start3A_344 : memref<14800xf32, #tpu.memory_space<vmem>>) target(%dma_start3A_342 : memref<14800xf32, #tpu.memory_space<hbm>>) target_semaphore(%arg7 : memref<!tpu.dma_semaphore, #tpu.memory_space<semaphore_mem>>)
      %add3A_345 = arith.constant 29600 : i32
      %add3A_346 = arith.addi %mul3A_0, %add3A_345 : i32
      %dma_start3A_347 = arith.constant 29600 : i32
      %dma_start3A_348 = tpu.memref_slice %arg5[%dma_start3A_347] : memref<62720xf32, #tpu.memory_space<vmem>> -> memref<14800xf32, #tpu.memory_space<vmem>>
      %dma_start3A_349 = tpu.memref_slice %arg3[%add3A_346] : memref<1000000xf32, #tpu.memory_space<hbm>> -> memref<14800xf32, #tpu.memory_space<hbm>>
      %dma_start3A_350 = tpu.memref_slice %arg3[%add3A_346] : memref<1000000xf32, #tpu.memory_space<hbm>> -> memref<14800xf32, #tpu.memory_space<hbm>>
      %dma_start3A_351 = arith.constant 29600 : i32
      %dma_start3A_352 = tpu.memref_slice %arg5[%dma_start3A_351] : memref<62720xf32, #tpu.memory_space<vmem>> -> memref<14800xf32, #tpu.memory_space<vmem>>
      tpu.enqueue_dma source(%dma_start3A_352 : memref<14800xf32, #tpu.memory_space<vmem>>) target(%dma_start3A_350 : memref<14800xf32, #tpu.memory_space<hbm>>) target_semaphore(%arg8 : memref<!tpu.dma_semaphore, #tpu.memory_space<semaphore_mem>>)
      %add3A_353 = arith.constant 44400 : i32
      %add3A_354 = arith.addi %mul3A_0, %add3A_353 : i32
      %dma_start3A_355 = arith.constant 44400 : i32
      %dma_start3A_356 = tpu.memref_slice %arg5[%dma_start3A_355] : memref<62720xf32, #tpu.memory_space<vmem>> -> memref<14800xf32, #tpu.memory_space<vmem>>
      %dma_start3A_357 = tpu.memref_slice %arg3[%add3A_354] : memref<1000000xf32, #tpu.memory_space<hbm>> -> memref<14800xf32, #tpu.memory_space<hbm>>
      %dma_start3A_358 = tpu.memref_slice %arg3[%add3A_354] : memref<1000000xf32, #tpu.memory_space<hbm>> -> memref<14800xf32, #tpu.memory_space<hbm>>
      %dma_start3A_359 = arith.constant 44400 : i32
      %dma_start3A_360 = tpu.memref_slice %arg5[%dma_start3A_359] : memref<62720xf32, #tpu.memory_space<vmem>> -> memref<14800xf32, #tpu.memory_space<vmem>>
      tpu.enqueue_dma source(%dma_start3A_360 : memref<14800xf32, #tpu.memory_space<vmem>>) target(%dma_start3A_358 : memref<14800xf32, #tpu.memory_space<hbm>>) target_semaphore(%arg9 : memref<!tpu.dma_semaphore, #tpu.memory_space<semaphore_mem>>)
      %dma_wait3A_361 = arith.constant 0 : i32
      %dma_wait3A_362 = tpu.memref_slice %arg5[%dma_wait3A_361] : memref<62720xf32, #tpu.memory_space<vmem>> -> memref<14800xf32, #tpu.memory_space<vmem>>
      %dma_wait3A_363 = tpu.memref_slice %arg3[%add3A_330] : memref<1000000xf32, #tpu.memory_space<hbm>> -> memref<14800xf32, #tpu.memory_space<hbm>>
      %dma_wait3A_364 = tpu.memref_slice %arg3[%add3A_330] : memref<1000000xf32, #tpu.memory_space<hbm>> -> memref<14800xf32, #tpu.memory_space<hbm>>
      %dma_wait3A_365 = arith.constant 0 : i32
      %dma_wait3A_366 = tpu.memref_slice %arg5[%dma_wait3A_365] : memref<62720xf32, #tpu.memory_space<vmem>> -> memref<14800xf32, #tpu.memory_space<vmem>>
      tpu.wait_dma2 semaphore(%arg6 : memref<!tpu.dma_semaphore, #tpu.memory_space<semaphore_mem>>) src(%dma_wait3A_366 : memref<14800xf32, #tpu.memory_space<vmem>>) dst(%dma_wait3A_364 : memref<14800xf32, #tpu.memory_space<hbm>>)
      %dma_wait3A_367 = arith.constant 14800 : i32
      %dma_wait3A_368 = tpu.memref_slice %arg5[%dma_wait3A_367] : memref<62720xf32, #tpu.memory_space<vmem>> -> memref<14800xf32, #tpu.memory_space<vmem>>
      %dma_wait3A_369 = tpu.memref_slice %arg3[%add3A_338] : memref<1000000xf32, #tpu.memory_space<hbm>> -> memref<14800xf32, #tpu.memory_space<hbm>>
      %dma_wait3A_370 = tpu.memref_slice %arg3[%add3A_338] : memref<1000000xf32, #tpu.memory_space<hbm>> -> memref<14800xf32, #tpu.memory_space<hbm>>
      %dma_wait3A_371 = arith.constant 14800 : i32
      %dma_wait3A_372 = tpu.memref_slice %arg5[%dma_wait3A_371] : memref<62720xf32, #tpu.memory_space<vmem>> -> memref<14800xf32, #tpu.memory_space<vmem>>
      tpu.wait_dma2 semaphore(%arg7 : memref<!tpu.dma_semaphore, #tpu.memory_space<semaphore_mem>>) src(%dma_wait3A_372 : memref<14800xf32, #tpu.memory_space<vmem>>) dst(%dma_wait3A_370 : memref<14800xf32, #tpu.memory_space<hbm>>)
      %dma_wait3A_373 = arith.constant 29600 : i32
      %dma_wait3A_374 = tpu.memref_slice %arg5[%dma_wait3A_373] : memref<62720xf32, #tpu.memory_space<vmem>> -> memref<14800xf32, #tpu.memory_space<vmem>>
      %dma_wait3A_375 = tpu.memref_slice %arg3[%add3A_346] : memref<1000000xf32, #tpu.memory_space<hbm>> -> memref<14800xf32, #tpu.memory_space<hbm>>
      %dma_wait3A_376 = tpu.memref_slice %arg3[%add3A_346] : memref<1000000xf32, #tpu.memory_space<hbm>> -> memref<14800xf32, #tpu.memory_space<hbm>>
      %dma_wait3A_377 = arith.constant 29600 : i32
      %dma_wait3A_378 = tpu.memref_slice %arg5[%dma_wait3A_377] : memref<62720xf32, #tpu.memory_space<vmem>> -> memref<14800xf32, #tpu.memory_space<vmem>>
      tpu.wait_dma2 semaphore(%arg8 : memref<!tpu.dma_semaphore, #tpu.memory_space<semaphore_mem>>) src(%dma_wait3A_378 : memref<14800xf32, #tpu.memory_space<vmem>>) dst(%dma_wait3A_376 : memref<14800xf32, #tpu.memory_space<hbm>>)
      %dma_wait3A_379 = arith.constant 44400 : i32
      %dma_wait3A_380 = tpu.memref_slice %arg5[%dma_wait3A_379] : memref<62720xf32, #tpu.memory_space<vmem>> -> memref<14800xf32, #tpu.memory_space<vmem>>
      %dma_wait3A_381 = tpu.memref_slice %arg3[%add3A_354] : memref<1000000xf32, #tpu.memory_space<hbm>> -> memref<14800xf32, #tpu.memory_space<hbm>>
      %dma_wait3A_382 = tpu.memref_slice %arg3[%add3A_354] : memref<1000000xf32, #tpu.memory_space<hbm>> -> memref<14800xf32, #tpu.memory_space<hbm>>
      %dma_wait3A_383 = arith.constant 44400 : i32
      %dma_wait3A_384 = tpu.memref_slice %arg5[%dma_wait3A_383] : memref<62720xf32, #tpu.memory_space<vmem>> -> memref<14800xf32, #tpu.memory_space<vmem>>
      tpu.wait_dma2 semaphore(%arg9 : memref<!tpu.dma_semaphore, #tpu.memory_space<semaphore_mem>>) src(%dma_wait3A_384 : memref<14800xf32, #tpu.memory_space<vmem>>) dst(%dma_wait3A_382 : memref<14800xf32, #tpu.memory_space<hbm>>)
    } else {
    }
    return
  }
}

</mosaic_0001>

<sc_bundles>
// kernel: kernel.3.cloned.1.call-start
scs
__scs_entry_jumppad:
0x0: {  	(pc) =	sbr.rel $0x88, $3  }
0x1: {  	(tag) =	ssettag $0x0;
	lr =	simm.s32 $0x1  }
0x2: {  	[smem:$0x3FA0] =	sst lr;
	_ =	strace $0xD0000000  }
0x3: {  	_ = 	snop  }
0x4: {  	_ = 	snop  }
0x5: {  	_ = 	snop  }
0x6: {  	_ = 	snop  }
0x7: {  	_ = 	snop  }
__scs_overlays_trampoline_lowered:
0x8: {  	[smem:$0x3FAF] =	sst s0  }
0x9: {  	[smem:$0x3FB0] =	sst s1  }
0xa: {  	[smem:$0x3FB1] =	sst s2  }
0xb: {  	[smem:$0x3FB2] =	sst s3  }
0xc: {  	[smem:$0x3FB3] =	sst s4  }
0xd: {  	[smem:$0x3FB4] =	sst s5  }
0xe: {  	[smem:$0x3FB5] =	sst s6  }
0xf: {  	[smem:$0x3FB6] =	sst s7  }
0x10: {  	[smem:$0x3FB7] =	sst s8  }
0x11: {  	[smem:$0x3FB8] =	sst s9;
	s0 =	simm.s32 @!p0 $0x0  }
0x12: {  	s1 =	sld [smem:$0x3F9E];
	s0 =	simm.s32 @p0 $0x1  }
0x13: {  	[smem:$0x3FB9] =	sst s0;
	s0 =	simm.s32 @!p1 $0x0  }
0x14: {  	s2 =	sld [smem:$0x3F9D];
	s0 =	simm.s32 @p1 $0x1  }
0x15: {  	[smem:$0x3FBA] =	sst s0;
	s0 =	simm.s32 @!p2 $0x0  }
0x16: {  	s3 =	sld [smem:$0x3FDB];
	s0 =	simm.s32 @p2 $0x1  }
0x17: {  	s4 =	simm.s32 $0x1BF5;
	[smem:$0x3FBC] =	sst s0  }
0x18: {  	s0 =	sld [smem:$0x3F9F];
	_ =	swait.ge [sflag:s4], $0x0  }
0x19: {  	s7 =	sld [smem:$0x3FA0]  }
0x1a: {  	s8 =	sadd.s32 $0xFFFFE003, lr  }
0x1b: {  	s9 =	sadd.s32 $0xFFFFFEF7, lr;
	s5 =	simm.s32 $0xFFFFFFFF;
	p2 =	slt.u32 s8, $0xFFFFF086  }
0x1c: {  	p1 =	slt.u32 s9, $0xF7A;
	s5 =	simm.s32 @!p2 $0x0  }
0x1d: {  	s5 =	simm.s32 @p1 $0x1;
	p0 =	seq.s32 s7, s2  }
0x1e: {  	s7 =	smul.u32 @!p0 $0xF7A, s2;
	p2 =	seq.s32 @!p0 s5, $0x0  }
0x1f: {  	s9 =	smul.u32 $0xF7A, s1;
	s8 =	simm.s32 @!p0 $0x1BF5;
	p2 =	por !p2, p0  }
0x20: {  	[sflag:s8] =	ssyncset.s32 @!p0 $0xFFFFF086;
	s6 =	sadd.s32 @!p0 s3, s7;
	s7 =	simm.s32 @!p0 $0x108  }
0x21: {  	s3 =	sadd.s32 s3, s9;
	s6 =	sadd.s32 @!p0 $0x88, s6;
	s7 =	simm.s32 @p2 $0x1082  }
0x22: {  	[simem:s7], [sflag:s8] =	dma.local @!p0 [hbm:s6], $0xF7A  }
0x23: {  	s9 =	sor.u32 $0xD0000000, s2;
	s6 =	simm.s32 $0x108;
	_ =	swait.ge @!p0 [sflag:s8], $0x0  }
0x24: {  	s3 =	sadd.s32 $0x88, s3;
	s6 =	simm.s32 @!p1 $0x1082;
	[sflag:s4] =	ssyncset.s32 $0xFFFFF086  }
0x25: {  	[simem:s6], [sflag:s4] =	dma.local [hbm:s3], $0xF7A  }
0x26: {  	[smem:$0x3FA0] =	sst s1;
	(tag) =	ssettag s2;
	_ =	strace s9  }
0x27: {  	s1 =	sld [smem:$0x3FB0]  }
0x28: {  	s2 =	sld [smem:$0x3FB1]  }
0x29: {  	s4 =	sld [smem:$0x3FB3]  }
0x2a: {  	p0 =	seq.s32 s5, $0x0;
	s5 =	sld [smem:$0x3FB4]  }
0x2b: {  	s6 =	sld [smem:$0x3FB5]  }
0x2c: {  	s7 =	sld [smem:$0x3FB6]  }
0x2d: {  	s3 =	simm.s32 $0x108;
	s8 =	sld [smem:$0x3FB7]  }
0x2e: {  	s3 =	simm.s32 @!p0 $0x1082;
	s9 =	sld [smem:$0x3FB8]  }
0x2f: {  	lr =	sadd.s32 s0, s3;
	s0 =	sld [smem:$0x3FAF]  }
0x30: {  	s3 =	sld [smem:$0x3FB2]  }
0x31: {  	[smem:$0x3FBB] =	sst s10  }
0x32: {  	s10 =	sld [smem:$0x3FB9];
	_ =	sdelay $0x3  }
0x33: {  	p0 =	seq.s32 s10, $0x1;
	s10 =	sld [smem:$0x3FBB];
	_ =	sdelay $0x3  }
0x34: {  	[smem:$0x3FBB] =	sst s10  }
0x35: {  	s10 =	sld [smem:$0x3FBA];
	_ =	sdelay $0x3  }
0x36: {  	p1 =	seq.s32 s10, $0x1;
	s10 =	sld [smem:$0x3FBB];
	_ =	sdelay $0x3  }
0x37: {  	[smem:$0x3FBB] =	sst s10  }
0x38: {  	s10 =	sld [smem:$0x3FBC]  }
0x39: {  	_ = 	snop;
	(pc) =	sbr.ind lr, $3  }
0x3a: {  	_ = 	snop  }
0x3b: {  	_ = 	snop  }
0x3c: {  	p2 =	seq.s32 s10, $0x1;
	s10 =	sld [smem:$0x3FBB]  }
0x3d: {  	_ =	shalt  }
0x3e: {  	_ =	shalt  }
0x3f: {  	_ =	shalt  }
0x40: {  	_ =	shalt  }
0x41: {  	_ =	shalt  }
0x42: {  	_ =	shalt  }
0x43: {  	_ =	shalt  }
0x44: {  	_ =	shalt  }
0x45: {  	_ =	shalt  }
0x46: {  	_ =	shalt  }
0x47: {  	_ =	shalt  }
0x48: {  	_ =	shalt  }
0x49: {  	_ =	shalt  }
0x4a: {  	_ =	shalt  }
0x4b: {  	_ =	shalt  }
0x4c: {  	_ =	shalt  }
0x4d: {  	_ =	shalt  }
0x4e: {  	_ =	shalt  }
0x4f: {  	_ =	shalt  }
0x50: {  	_ =	shalt  }
0x51: {  	_ =	shalt  }
0x52: {  	_ =	shalt  }
0x53: {  	_ =	shalt  }
0x54: {  	_ =	shalt  }
0x55: {  	_ =	shalt  }
0x56: {  	_ =	shalt  }
0x57: {  	_ =	shalt  }
0x58: {  	_ =	shalt  }
0x59: {  	_ =	shalt  }
0x5a: {  	_ =	shalt  }
0x5b: {  	_ =	shalt  }
0x5c: {  	_ =	shalt  }
0x5d: {  	_ =	shalt  }
0x5e: {  	_ =	shalt  }
0x5f: {  	_ =	shalt  }
0x60: {  	_ =	shalt  }
0x61: {  	_ =	shalt  }
0x62: {  	_ =	shalt  }
0x63: {  	_ =	shalt  }
0x64: {  	_ =	shalt  }
0x65: {  	_ =	shalt  }
0x66: {  	_ =	shalt  }
0x67: {  	_ =	shalt  }
0x68: {  	_ =	shalt  }
0x69: {  	_ =	shalt  }
0x6a: {  	_ =	shalt  }
0x6b: {  	_ =	shalt  }
0x6c: {  	_ =	shalt  }
0x6d: {  	_ =	shalt  }
0x6e: {  	_ =	shalt  }
0x6f: {  	_ =	shalt  }
0x70: {  	_ =	shalt  }
0x71: {  	_ =	shalt  }
0x72: {  	_ =	shalt  }
0x73: {  	_ =	shalt  }
0x74: {  	_ =	shalt  }
0x75: {  	_ =	shalt  }
0x76: {  	_ =	shalt  }
0x77: {  	_ =	shalt  }
0x78: {  	_ =	shalt  }
0x79: {  	_ =	shalt  }
0x7a: {  	_ =	shalt  }
0x7b: {  	_ =	shalt  }
0x7c: {  	_ =	shalt  }
0x7d: {  	_ =	shalt  }
0x7e: {  	_ =	shalt  }
0x7f: {  	_ =	shalt  }
0x80: {  	_ =	shalt  }
0x81: {  	_ =	shalt  }
0x82: {  	_ =	shalt  }
0x83: {  	_ =	shalt  }
0x84: {  	_ =	shalt  }
0x85: {  	_ =	shalt  }
0x86: {  	_ =	shalt  }
0x87: {  	_ =	shalt  }
.Lfunc_end0:
.L_simem_size_0:
called_computation_lowered:
.L_overlay_start_0:
0x88: {  	s0 =	sld [smem:$0x3FD9]  }
0x89: {  	s1 =	sld [smem:$0x3FFE];
	_ =	sdelay $0x3  }
0x8a: {  	s0 =	sadd.s32 s1, s0  }
0x8b: {  	[smem:$0x3FC7] =	sst s0  }
0x8c: {  	_ = 	snop  }
0x8d: {  	s0 =	sld [smem:$0x3FC9]  }
0x8e: {  	s17 =	sld [smem:$0x3FD0];
	(tm) =	ssettm $0x1  }
0x8f: {  	s2 =	sld [smem:$0x3FFB];
	_ =	sdelay $0x3  }
0x90: {  	_ =	strace s2  }
0x91: {  	s2 =	sld [smem:$0x3FFC];
	_ =	sdelay $0x3  }
0x92: {  	_ =	strace s2  }
0x93: {  	s2 =	sld [smem:$0x3FFD];
	_ =	sdelay $0x3  }
0x94: {  	_ =	strace s2  }
0x95: {  	_ =	strace $0x8FFFFFFF  }
0x96: {  	s18 =	sld [smem:$0x3FDB];
	_ =	sdelay $0x1  }
0x97: {  	s3 =	simm.s32 $_scs_section_size  }
0x98: {  	s4 =	simm.s32 $_size__tile_overlayer_lowered;
	s5 =	simm.s32 $_tile_overlayer_lowered  }
0x99: {  	s21 =	simm.s32 $0x1BFF;
	s20 =	sshll.u32 s5, $0x1;
	s2 =	sadd.s32 s3, s18  }
0x9a: {  	s6 =	simm.s32 $0x0;
	s19 =	sshll.u32 s4, $0x1;
	s4 =	sadd.s32 s20, s2  }
0x9b: {  	[timem:s6], [sflag:s21] =	dma.local [hbm:s4], s19  }
0x9c: {  	_ =	swait.ge [sflag:s21], s19  }
0x9d: {  	s3 =	ssub.s32 $0x0, s19;
	[sflag:s21] =	ssyncset.done $0x0  }
0x9e: {  	[sflag:s21] =	ssyncadd.s32 s3;
	_ =	sdelay $0x1  }
0x9f: {  	s22 =	simm.s32 $0x1B8B  }
0xa0: {  	_ =	swait.ge [sflag:s22], $0x1  }
0xa1: {  	[sflag:s22] =	ssyncset.done $0x0  }
0xa2: {  	s23 =	simm.s32 $0x1B8E;
	[sflag:s22] =	ssyncadd.s32 $0xFFFFFFFF  }
0xa3: {  	s24 =	simm.s32 $execute0_lowered;
	[smem:$0x3FD2] =	sst s23  }
0xa4: {  	s3 =	sshll.u32 s24, $0x1;
	_ =	strace $0x80000046;
	[dreg:$0x1] =	wrdreg $0xFFFFFFFF  }
0xa5: {  	s25 =	simm.s32 $_size_execute0_lowered;
	s2 =	sadd.s32 s2, s3;
	[dreg:$0x0] =	wrdreg $0x0  }
0xa6: {  	s3 =	sshll.u32 s25, $0x1;
	[dreg:$0x2] =	wrdreg s2  }
0xa7: {  	[dreg:$0x3] =	wrdreg s3  }
0xa8: {  	[dreg:$0x4] =	wrdreg $0xC0  }
0xa9: {  	_ =	task [dreg:s6], $0x5FFFF  }
0xaa: {  	[dreg:$0x1] =	wrdreg $0xFFFFFFFF  }
0xab: {  	[dreg:$0x0] =	wrdreg $0x60  }
0xac: {  	[dreg:$0x2] =	wrdreg s0  }
0xad: {  	[dreg:$0x3] =	wrdreg s17  }
0xae: {  	[dreg:$0x4] =	wrdreg $0x9  }
0xaf: {  	_ =	task.clear_ibuf [dreg:s6], $0x5FFFF;
	_ =	strace $0x90000046  }
0xb0: {  	s26 =	simm.s32 $0x9;
	_ =	strace $0x80000048  }
0xb1: {  	_ =	swait.ge [sflag:s26], $0x1  }
0xb2: {  	[sflag:s26] =	ssyncadd.s32 $0xFFFFFFFF  }
0xb3: {  	_ =	strace $0x90000048  }
0xb4: {  	_ =	sfence  }
0xb5: {  	s28 =	sld [smem:$0x0];
	_ =	sdelay $0x1  }
0xb6: {  	s29 =	srdreg.scid  }
0xb7: {  	s30 =	sshll.u32 s29, $0xD;
	s31 =	sshrl.u32 s29, $0x2  }
0xb8: {  	s1 =	sand.u32 $0x1, s29;
	s2 =	sand.u32 $0x4000, s30;
	s0 =	sadd.s32 s31, s28  }
0xb9: {  	s1 =	sor.u32 s2, s1;
	s0 =	sshll.u32 s0, $0x11  }
0xba: {  	s0 =	sor.u32 s0, s1  }
0xbb: {  	s0 =	sadd.s32 $0x8F2B, s0  }
0xbc: {  	[sflag:s0] =	ssyncadd.remote.s32 $0x1  }
0xbd: {  	_ =	sfence.sel $0xFFFF  }
0xbe: {  	[dreg:$0x0] =	wrdreg $0xFFFFFFFF;
	(pc) =	sbr.abs _section_cstart, $3  }
0xbf: {  	[dreg:$0x1] =	wrdreg $0xFFFFFFFF  }
0xc0: {  	_ =	task.clear_ibuf [dreg:s6], $0x2FFFF;
	_ =	strace $0x9FFFFFFF  }
0xc1: {  	(tm) =	ssettm $0x7FFFFFFF  }
tec
execute0_lowered:
.L_overlay_start_1:
0x0: {  	(tag) =	ssettag $0x1  }
0x1: {  	s11 =	rddreg [dreg:$0x0]  }
0x2: {  	s2 =	rddreg [dreg:$0x1];
	s1 =	stileid.u32  }
0x3: {  	s0 =	rddreg [dreg:$0x2];
	s12 =	simm.s32 $0x0;
	s4 =	sshrl.u32 s1, $0x1  }
0x4: {  	[smem:$0x7FF] =	sst s12;
	s3 =	sshll.u32 s4, $0xD  }
0x5: {  	_ =	strace $0x80000047;
	s4 =	sshll.u32 s4, $0xA;
	s5 =	sadd.s32 $0x2000, s3  }
0x6: {  	s6 =	sadd.s32 $0x4000, s3;
	s18 =	sadd.s32 $0x6000, s3;
	s7 =	sxor.u32 $0x8000, s3  }
0x7: {  	s19 =	sadd.s32 $0xA000, s3;
	s4 =	sadd.s32 s11, s4;
	s10 =	sand.u32 $0xE000, s5  }
0x8: {  	[tilespmem:s3], [sflag:$0x1] =	stream.linear.gather [hbm4b:s4+s12], $0x2000, $0x38;
	[tilespmem:$0x1F500] =	vst v63  }
0x9: {  	s22 =	sadd.s32 $0xC000, s3;
	s9 =	sand.u32 $0xE000, s6;
	s13 =	sshrl.u32 s10, $0x3  }
0xa: {  	s8 =	sand.u32 $0xE000, s18;
	s21 =	sshrl.u32 s9, $0x3;
	s20 =	sadd.s32 s11, s13  }
0xb: {  	[tilespmem:s10], [sflag:$0x2] =	stream.linear.gather [hbm4b:s20+s12], $0x2000, $0x38;
	[tilespmem:$0x1F500] =	vst v63  }
0xc: {  	s26 =	sadd.s32 $0xE000, s3;
	s23 =	sshrl.u32 s8, $0x3;
	s5 =	sadd.s32 s11, s21  }
0xd: {  	[tilespmem:s9], [sflag:$0x3] =	stream.linear.gather [hbm4b:s5+s12], $0x2000, $0x38;
	[tilespmem:$0x1F500] =	vst v63  }
0xe: {  	s6 =	sand.u32 $0xE000, s19;
	s25 =	sshrl.u32 s7, $0x3;
	s24 =	sadd.s32 s11, s23  }
0xf: {  	[tilespmem:s8], [sflag:$0x4] =	stream.linear.gather [hbm4b:s24+s12], $0x2000, $0x38;
	[tilespmem:$0x1F500] =	vst v63  }
0x10: {  	s14 =	sshrl.u32 s6, $0x3;
	s13 =	sadd.s32 s11, s25;
	s5 =	sand.u32 $0xE000, s22  }
0x11: {  	[tilespmem:s7], [sflag:$0x5] =	stream.linear.gather [hbm4b:s13+s12], $0x2000, $0x38;
	[tilespmem:$0x1F500] =	vst v63  }
0x12: {  	s4 =	sand.u32 $0xE000, s26;
	s28 =	sadd.s32 s11, s14;
	s29 =	sshrl.u32 s5, $0x3  }
0x13: {  	[tilespmem:s6], [sflag:$0x6] =	stream.linear.gather [hbm4b:s28+s12], $0x2000, $0x38;
	[tilespmem:$0x1F500] =	vst v63  }
0x14: {  	s31 =	sshrl.u32 s4, $0x3;
	s30 =	sadd.s32 s11, s29  }
0x15: {  	[tilespmem:s5], [sflag:$0x7] =	stream.linear.gather [hbm4b:s30+s12], $0x2000, $0x38;
	[tilespmem:$0x1F500] =	vst v63  }
0x16: {  	s11 =	sadd.s32 s11, s31  }
0x17: {  	[tilespmem:s4], [sflag:$0x8] =	stream.linear.gather [hbm4b:s11+s12], $0x2000, $0x38;
	[tilespmem:$0x1F500] =	vst v63  }
0x18: {  	v0 =	vimm.f32 $0.0e+00;
	s11 =	simm.s32 $0x10040  }
0x19: {  	[tilespmem:s11+$0xFFFFFFC0] =	vst v0  }
0x1a: {  	[tilespmem:s11+$0x30] =	vst v0  }
0x1b: {  	[tilespmem:s11+$0x20] =	vst v0  }
0x1c: {  	[tilespmem:s11+$0x10] =	vst v0  }
0x1d: {  	[tilespmem:s11+$0x0] =	vst v0  }
0x1e: {  	[tilespmem:s11+$0xFFFFFFF0] =	vst v0  }
0x1f: {  	s12 =	simm.s32 $0x0;
	[tilespmem:s11+$0xFFFFFFE0] =	vst v0  }
.LBB2_1:
0x20: {  	s12 =	sadd.s32 $0x8, s12;
	[tilespmem:s11+$0xFFFFFFD0] =	vst v0;
	s11 =	sadd.s32 $0x80, s11  }
0x21: {  	[tilespmem:s11+$0xFFFFFFC0] =	vst v0;
	p0 =	slt.u32 s12, $0xF48  }
0x22: {  	[tilespmem:s11+$0x30] =	vst v0  }
.Ltmp0:
0x23: {  	[tilespmem:s11+$0x20] =	vst v0;
	(pc) =	sbr.rel @p0 .LBB2_1-.Ltmp0, $4  }
0x24: {  	[tilespmem:s11+$0x10] =	vst v0  }
0x25: {  	[tilespmem:s11+$0x0] =	vst v0  }
0x26: {  	[tilespmem:s11+$0xFFFFFFF0] =	vst v0  }
0x27: {  	[tilespmem:s11+$0xFFFFFFE0] =	vst v0  }
0x28: {  	[tilespmem:s11+$0xFFFFFFD0] =	vst v0;
	s31 =	simm.s32 $0x1  }
0x29: {  	_ =	swait.ge [sflag:s31], $0x2000  }
0x2a: {  	[sflag:s31] =	ssyncset.done $0x0  }
0x2b: {  	s13 =	sor.u32 $0x80, s3;
	[sflag:s31] =	ssyncadd.s32 $0xFFFFE000  }
0x2c: {  	v2 =	vld [tilespmem:s13+$0x70]  }
0x2d: {  	v3 =	vld [tilespmem:s13+$0xFFFFFF90]  }
0x2e: {  	v4 =	vld [tilespmem:s13+$0xFFFFFFA0]  }
0x2f: {  	v5 =	vld [tilespmem:s13+$0xFFFFFFB0]  }
0x30: {  	v6 =	vld [tilespmem:s13+$0xFFFFFFC0]  }
0x31: {  	v7 =	vld [tilespmem:s13+$0xFFFFFFD0]  }
0x32: {  	v9 =	vld [tilespmem:s13+$0xFFFFFFE0]  }
0x33: {  	s3 =	smul.u32 $0xF500, s1;
	v10 =	vld [tilespmem:s13+$0xFFFFFFF0]  }
0x34: {  	v11 =	vld [tilespmem:s13+$0x0]  }
0x35: {  	v0 =	vmov s3;
	v12 =	vld [tilespmem:s13+$0x10]  }
0x36: {  	v1 =	vimm.f32 $1.000000000e+00;
	v13 =	vld [tilespmem:s13+$0x20];
	v8 =	vsub.s32 v2, v0  }
0x37: {  	v24 =	vld [tilespmem:s13+$0x40];
	v2 =	vand.u32 $0x7F, v2;
	v26 =	vsub.s32 v3, v0;
	v27 =	vsub.s32 v4, v0  }
0x38: {  	v17 =	vld [tilespmem:s13+$0xFFFFFF80];
	v29 =	vsub.s32 v5, v0;
	v23 =	vand.u32 $0x7F, v3;
	v35 =	vsub.s32 v6, v0  }
0x39: {  	v44 =	vld [tilespmem:s13+$0x50];
	v32 =	vand.u32 $0x7F, v4;
	v37 =	vsub.s32 v7, v0;
	v38 =	vand.u32 $0x7F, v5  }
0x3a: {  	v15 =	vld [tilespmem:s13+$0x30];
	v40 =	vsub.s32 v9, v0;
	v41 =	vand.u32 $0x7F, v6;
	v43 =	vand.u32 $0x7F, v7  }
0x3b: {  	v4 =	vsub.s32 v11, v0;
	v45 =	vand.u32 $0x7F, v9;
	v6 =	vsub.s32 v12, v0  }
0x3c: {  	v19 =	vand.u32 $0x7F, v10;
	v7 =	vsub.s32 v13, v0;
	v18 =	vand.u32 $0x7F, v11  }
0x3d: {  	v20 =	vand.u32 $0x7F, v12;
	v12 =	vsub.s32 v24, v0;
	v21 =	vand.u32 $0x7F, v13  }
0x3e: {  	v47 =	vsub.s32 v17, v0;
	v13 =	vsub.s32 v44, v0;
	v17 =	vand.u32 $0x7F, v17  }
0x3f: {  	v22 =	vand.u32 $0x7F, v15;
	vm0 =	vlt.u32 v8, $0xF500;
	v8 =	vand.u32 $0xFFFFFF80, v8  }
0x40: {  	v16 =	vand.u32 $0xFFFFFF80, v26;
	v28 =	vand.u32 $0xFFFFFF80, v27;
	v34 =	vand.u32 $0xFFFFFF80, v29  }
0x41: {  	v46 =	vld [tilespmem:s13+$0x60];
	v36 =	vand.u32 $0xFFFFFF80, v35;
	v39 =	vand.u32 $0xFFFFFF80, v37;
	v42 =	vand.u32 $0xFFFFFF80, v40  }
0x42: {  	v5 =	vand.u32 $0xFFFFFF80, v4;
	v9 =	vand.u32 $0xFFFFFF80, v7;
	v14 =	vand.u32 $0xFFFFFF80, v12  }
0x43: {  	v25 =	vand.u32 $0xFFFFFF80, v47;
	vm5 =	vlt.u32 v47, $0xF500;
	vm4 =	vlt.u32 v26, $0xF500  }
0x44: {  	vm3 =	vlt.u32 v27, $0xF500;
	vm1 =	vlt.u32 v29, $0xF500;
	vm7 =	vlt.u32 v35, $0xF500  }
0x45: {  	vm2 =	vlt.u32 v37, $0xF500;
	v33 =	vor.u32 v2, v8;
	v2 =	vsub.s32 v10, v0  }
0x46: {  	v8 =	vand.u32 $0xFFFFFF80, v6;
	v10 =	vsub.s32 v15, v0;
	v15 =	vsub.s32 v46, v0  }
0x47: {  	v31 =	vor.u32 v17, v25;
	v17 =	vand.u32 $0xFFFFFF80, v13;
	v30 =	vor.u32 v23, v16  }
0x48: {  	v25 =	vand.u32 $0x7F, v24;
	v24 =	vand.u32 $0x7F, v44;
	v23 =	vand.u32 $0x7F, v46  }
0x49: {  	v32 =	vor.u32 v32, v28;
	v29 =	vor.u32 v38, v34;
	v28 =	vor.u32 v41, v36  }
0x4a: {  	s11 =	simm.s32 $0x10000;
	v27 =	vor.u32 v43, v39;
	v26 =	vor.u32 v45, v42;
	v3 =	vand.u32 $0xFFFFFF80, v2  }
0x4b: {  	s12 =	simm.s32 $0x0;
	s13 =	sadd.s32 $0x100, s13;
	v11 =	vand.u32 $0xFFFFFF80, v10;
	v16 =	vand.u32 $0xFFFFFF80, v15;
	[tilespmem:v33+s11+$0x0] =	vst.idx.msk vm0, v1;
	vm0 =	vlt.u32 v40, $0xF500  }
.LBB2_3:
0x4c: {  	v33 =	vld [tilespmem:s13+$0x70];
	s12 =	sadd.s32 $0x10, s12;
	vm10 =	vlt.u32 v2, $0xF500;
	v2 =	vor.u32 v19, v3;
	vm8 =	vlt.u32 v4, $0xF500  }
0x4d: {  	v4 =	vor.u32 v18, v5;
	vm9 =	vlt.u32 v6, $0xF500;
	v5 =	vor.u32 v20, v8;
	v3 =	vld [tilespmem:s13+$0xFFFFFF90];
	p0 =	slt.u32 s12, $0x1F0;
	[tilespmem:v31+s11+$0x0] =	vst.idx.msk vm5, v1  }
0x4e: {  	vm6 =	vlt.u32 v7, $0xF500;
	v7 =	vor.u32 v21, v9;
	vm5 =	vlt.u32 v10, $0xF500;
	v6 =	vld [tilespmem:s13+$0xFFFFFFA0];
	[tilespmem:v30+s11+$0x0] =	vst.idx.msk vm4, v1  }
0x4f: {  	v9 =	vor.u32 v22, v11;
	v10 =	vor.u32 v25, v14;
	v8 =	vld [tilespmem:s13+$0xFFFFFFB0];
	[tilespmem:v32+s11+$0x0] =	vst.idx.msk vm3, v1;
	vm3 =	vlt.u32 v12, $0xF500  }
0x50: {  	vm4 =	vlt.u32 v13, $0xF500;
	v12 =	vor.u32 v24, v17;
	v11 =	vld [tilespmem:s13+$0xFFFFFFC0];
	[tilespmem:v29+s11+$0x0] =	vst.idx.msk vm1, v1;
	vm1 =	vlt.u32 v15, $0xF500  }
0x51: {  	v15 =	vor.u32 v23, v16;
	v13 =	vld [tilespmem:s13+$0xFFFFFFD0];
	v14 =	vsub.s32 v33, v0;
	[tilespmem:v28+s11+$0x0] =	vst.idx.msk vm7, v1  }
0x52: {  	v17 =	vand.u32 $0x7F, v33;
	v16 =	vld [tilespmem:s13+$0xFFFFFFE0];
	vm7 =	vlt.u32 v14, $0xF500;
	v14 =	vand.u32 $0xFFFFFF80, v14;
	[tilespmem:v27+s11+$0x0] =	vst.idx.msk vm2, v1  }
0x53: {  	v27 =	vsub.s32 v3, v0;
	v28 =	vsub.s32 v6, v0;
	v18 =	vld [tilespmem:s13+$0xFFFFFFF0];
	v14 =	vor.u32 v17, v14  }
0x54: {  	v29 =	vand.u32 $0xFFFFFF80, v27;
	v32 =	vand.u32 $0xFFFFFF80, v28;
	v33 =	vsub.s32 v8, v0;
	v17 =	vld [tilespmem:s13+$0x0];
	[tilespmem:v26+s11+$0x0] =	vst.idx.msk vm0, v1  }
0x55: {  	v26 =	vand.u32 $0x7F, v3;
	v34 =	vand.u32 $0xFFFFFF80, v33;
	v35 =	vsub.s32 v11, v0;
	v20 =	vld [tilespmem:s13+$0x10];
	[tilespmem:v2+s11+$0x0] =	vst.idx.msk vm10, v1  }
0x56: {  	v36 =	vand.u32 $0x7F, v6;
	v37 =	vand.u32 $0xFFFFFF80, v35;
	v38 =	vsub.s32 v13, v0;
	v21 =	vld [tilespmem:s13+$0x20];
	[tilespmem:v4+s11+$0x0] =	vst.idx.msk vm8, v1  }
0x57: {  	v39 =	vand.u32 $0x7F, v8;
	v40 =	vand.u32 $0xFFFFFF80, v38;
	v41 =	vsub.s32 v16, v0;
	v22 =	vld [tilespmem:s13+$0x30];
	[tilespmem:v5+s11+$0x0] =	vst.idx.msk vm9, v1  }
0x58: {  	v42 =	vand.u32 $0x7F, v11;
	v43 =	vand.u32 $0xFFFFFF80, v41;
	v2 =	vsub.s32 v18, v0;
	v23 =	vld [tilespmem:s13+$0x40];
	[tilespmem:v14+s11+$0x0] =	vst.idx.msk vm7, v1  }
0x59: {  	v44 =	vand.u32 $0x7F, v13;
	v3 =	vand.u32 $0xFFFFFF80, v2;
	v4 =	vsub.s32 v17, v0;
	v24 =	vld [tilespmem:s13+$0x50];
	[tilespmem:v7+s11+$0x0] =	vst.idx.msk vm6, v1  }
0x5a: {  	v45 =	vand.u32 $0x7F, v16;
	v5 =	vand.u32 $0xFFFFFF80, v4;
	v6 =	vsub.s32 v20, v0;
	v30 =	vld [tilespmem:s13+$0x60];
	[tilespmem:v9+s11+$0x0] =	vst.idx.msk vm5, v1  }
0x5b: {  	v19 =	vand.u32 $0x7F, v18;
	v16 =	vld [tilespmem:s13+$0xFFFFFF80];
	v8 =	vand.u32 $0xFFFFFF80, v6;
	v7 =	vsub.s32 v21, v0;
	[tilespmem:v10+s11+$0x0] =	vst.idx.msk vm3, v1  }
0x5c: {  	v18 =	vand.u32 $0x7F, v17;
	v9 =	vand.u32 $0xFFFFFF80, v7;
	v10 =	vsub.s32 v22, v0;
	[tilespmem:v12+s11+$0x0] =	vst.idx.msk vm4, v1  }
0x5d: {  	v20 =	vand.u32 $0x7F, v20;
	v11 =	vand.u32 $0xFFFFFF80, v10;
	v12 =	vsub.s32 v23, v0;
	[tilespmem:v15+s11+$0x0] =	vst.idx.msk vm1, v1  }
0x5e: {  	v21 =	vand.u32 $0x7F, v21;
	v14 =	vand.u32 $0xFFFFFF80, v12;
	v13 =	vsub.s32 v24, v0  }
0x5f: {  	v22 =	vand.u32 $0x7F, v22;
	v17 =	vand.u32 $0xFFFFFF80, v13;
	v15 =	vsub.s32 v30, v0  }
0x60: {  	v31 =	vsub.s32 v16, v0;
	v46 =	vand.u32 $0x7F, v16;
	v16 =	vand.u32 $0xFFFFFF80, v15  }
0x61: {  	v25 =	vand.u32 $0x7F, v23;
	v24 =	vand.u32 $0x7F, v24;
	v47 =	vand.u32 $0xFFFFFF80, v31  }
.Ltmp1:
0x62: {  	v23 =	vand.u32 $0x7F, v30;
	vm5 =	vlt.u32 v31, $0xF500;
	v31 =	vor.u32 v46, v47;
	(pc) =	sbr.rel @p0 .LBB2_3-.Ltmp1, $4  }
0x63: {  	vm3 =	vlt.u32 v28, $0xF500;
	vm4 =	vlt.u32 v27, $0xF500;
	v30 =	vor.u32 v26, v29  }
0x64: {  	v32 =	vor.u32 v36, v32;
	vm1 =	vlt.u32 v33, $0xF500;
	v29 =	vor.u32 v39, v34  }
0x65: {  	vm2 =	vlt.u32 v38, $0xF500;
	vm7 =	vlt.u32 v35, $0xF500;
	v28 =	vor.u32 v42, v37  }
0x66: {  	vm0 =	vlt.u32 v41, $0xF500;
	s13 =	sadd.s32 $0x100, s13;
	v27 =	vor.u32 v44, v40;
	v26 =	vor.u32 v45, v43  }
0x67: {  	_ =	sdelay $0x4  }
0x68: {  	[tilespmem:v31+s11+$0x0] =	vst.idx.msk vm5, v1  }
0x69: {  	vm5 =	vlt.u32 v2, $0xF500;
	[tilespmem:v30+s11+$0x0] =	vst.idx.msk vm4, v1  }
0x6a: {  	v2 =	vor.u32 v19, v3;
	vm4 =	vlt.u32 v4, $0xF500;
	[tilespmem:v32+s11+$0x0] =	vst.idx.msk vm3, v1  }
0x6b: {  	v3 =	vor.u32 v18, v5;
	vm3 =	vlt.u32 v6, $0xF500;
	[tilespmem:v29+s11+$0x0] =	vst.idx.msk vm1, v1  }
0x6c: {  	v4 =	vor.u32 v20, v8;
	vm1 =	vlt.u32 v7, $0xF500;
	[tilespmem:v28+s11+$0x0] =	vst.idx.msk vm7, v1  }
0x6d: {  	v5 =	vor.u32 v21, v9;
	vm6 =	vlt.u32 v10, $0xF500;
	[tilespmem:v27+s11+$0x0] =	vst.idx.msk vm2, v1  }
0x6e: {  	v6 =	vor.u32 v22, v11;
	vm2 =	vlt.u32 v12, $0xF500;
	[tilespmem:v26+s11+$0x0] =	vst.idx.msk vm0, v1  }
0x6f: {  	v7 =	vor.u32 v25, v14;
	vm0 =	vlt.u32 v13, $0xF500;
	[tilespmem:v2+s11+$0x0] =	vst.idx.msk vm5, v1  }
0x70: {  	v2 =	vor.u32 v24, v17;
	vm5 =	vlt.u32 v15, $0xF500;
	[tilespmem:v3+s11+$0x0] =	vst.idx.msk vm4, v1  }
0x71: {  	v3 =	vor.u32 v23, v16;
	[tilespmem:v4+s11+$0x0] =	vst.idx.msk vm3, v1  }
0x72: {  	[tilespmem:v5+s11+$0x0] =	vst.idx.msk vm1, v1  }
0x73: {  	[tilespmem:v6+s11+$0x0] =	vst.idx.msk vm6, v1  }
0x74: {  	[tilespmem:v7+s11+$0x0] =	vst.idx.msk vm2, v1  }
0x75: {  	[tilespmem:v2+s11+$0x0] =	vst.idx.msk vm0, v1  }
0x76: {  	s31 =	simm.s32 $0x2;
	[tilespmem:v3+s11+$0x0] =	vst.idx.msk vm5, v1  }
0x77: {  	_ =	swait.ge [sflag:s31], $0x2000  }
0x78: {  	[sflag:s31] =	ssyncset.done $0x0  }
0x79: {  	s12 =	sor.u32 $0x80, s10;
	[sflag:s31] =	ssyncadd.s32 $0xFFFFE000  }
0x7a: {  	v2 =	vld [tilespmem:s12+$0x70]  }
0x7b: {  	v3 =	vld [tilespmem:s12+$0xFFFFFF90]  }
0x7c: {  	v4 =	vld [tilespmem:s12+$0xFFFFFFA0]  }
0x7d: {  	v5 =	vld [tilespmem:s12+$0xFFFFFFB0]  }
0x7e: {  	v6 =	vld [tilespmem:s12+$0xFFFFFFC0]  }
0x7f: {  	v7 =	vld [tilespmem:s12+$0xFFFFFFD0]  }
0x80: {  	v9 =	vld [tilespmem:s12+$0xFFFFFFE0]  }
0x81: {  	v10 =	vld [tilespmem:s12+$0xFFFFFFF0]  }
0x82: {  	v11 =	vld [tilespmem:s12+$0x0]  }
0x83: {  	v12 =	vld [tilespmem:s12+$0x10]  }
0x84: {  	v1 =	vimm.f32 $1.000000000e+00;
	v13 =	vld [tilespmem:s12+$0x20];
	v8 =	vsub.s32 v2, v0  }
0x85: {  	v24 =	vld [tilespmem:s12+$0x40];
	v2 =	vand.u32 $0x7F, v2;
	v26 =	vsub.s32 v3, v0;
	v27 =	vsub.s32 v4, v0  }
0x86: {  	v17 =	vld [tilespmem:s12+$0xFFFFFF80];
	v29 =	vsub.s32 v5, v0;
	v23 =	vand.u32 $0x7F, v3;
	v35 =	vsub.s32 v6, v0  }
0x87: {  	v44 =	vld [tilespmem:s12+$0x50];
	v63 =	vand.u32 $0x7F, v4;
	v37 =	vsub.s32 v7, v0;
	v38 =	vand.u32 $0x7F, v5  }
0x88: {  	v15 =	vld [tilespmem:s12+$0x30];
	v40 =	vsub.s32 v9, v0;
	v41 =	vand.u32 $0x7F, v6;
	v43 =	vand.u32 $0x7F, v7  }
0x89: {  	v4 =	vsub.s32 v11, v0;
	v45 =	vand.u32 $0x7F, v9;
	v6 =	vsub.s32 v12, v0  }
0x8a: {  	v19 =	vand.u32 $0x7F, v10;
	v7 =	vsub.s32 v13, v0;
	v18 =	vand.u32 $0x7F, v11  }
0x8b: {  	v20 =	vand.u32 $0x7F, v12;
	v12 =	vsub.s32 v24, v0;
	v21 =	vand.u32 $0x7F, v13  }
0x8c: {  	v47 =	vsub.s32 v17, v0;
	v13 =	vsub.s32 v44, v0;
	v17 =	vand.u32 $0x7F, v17  }
0x8d: {  	v22 =	vand.u32 $0x7F, v15;
	vm0 =	vlt.u32 v8, $0xF500;
	v8 =	vand.u32 $0xFFFFFF80, v8  }
0x8e: {  	v16 =	vand.u32 $0xFFFFFF80, v26;
	v28 =	vand.u32 $0xFFFFFF80, v27;
	v34 =	vand.u32 $0xFFFFFF80, v29  }
0x8f: {  	v46 =	vld [tilespmem:s12+$0x60];
	v36 =	vand.u32 $0xFFFFFF80, v35;
	v39 =	vand.u32 $0xFFFFFF80, v37;
	v42 =	vand.u32 $0xFFFFFF80, v40  }
0x90: {  	v5 =	vand.u32 $0xFFFFFF80, v4;
	v9 =	vand.u32 $0xFFFFFF80, v7;
	v14 =	vand.u32 $0xFFFFFF80, v12  }
0x91: {  	v25 =	vand.u32 $0xFFFFFF80, v47;
	vm5 =	vlt.u32 v47, $0xF500;
	vm4 =	vlt.u32 v26, $0xF500  }
0x92: {  	vm3 =	vlt.u32 v27, $0xF500;
	vm1 =	vlt.u32 v29, $0xF500;
	vm7 =	vlt.u32 v35, $0xF500  }
0x93: {  	vm2 =	vlt.u32 v37, $0xF500;
	v33 =	vor.u32 v2, v8;
	v2 =	vsub.s32 v10, v0  }
0x94: {  	v8 =	vand.u32 $0xFFFFFF80, v6;
	v10 =	vsub.s32 v15, v0;
	v15 =	vsub.s32 v46, v0  }
0x95: {  	v31 =	vor.u32 v17, v25;
	v17 =	vand.u32 $0xFFFFFF80, v13;
	v30 =	vor.u32 v23, v16  }
0x96: {  	v25 =	vand.u32 $0x7F, v24;
	v24 =	vand.u32 $0x7F, v44;
	v23 =	vand.u32 $0x7F, v46  }
0x97: {  	v32 =	vor.u32 v63, v28;
	v29 =	vor.u32 v38, v34;
	v28 =	vor.u32 v41, v36  }
0x98: {  	s10 =	simm.s32 $0x10000;
	v27 =	vor.u32 v43, v39;
	v26 =	vor.u32 v45, v42;
	v3 =	vand.u32 $0xFFFFFF80, v2  }
0x99: {  	s11 =	simm.s32 $0x0;
	s12 =	sadd.s32 $0x100, s12;
	v11 =	vand.u32 $0xFFFFFF80, v10;
	v16 =	vand.u32 $0xFFFFFF80, v15;
	[tilespmem:v33+s10+$0x0] =	vst.idx.msk vm0, v1;
	vm0 =	vlt.u32 v40, $0xF500  }
.LBB2_5:
0x9a: {  	v33 =	vld [tilespmem:s12+$0x70];
	s11 =	sadd.s32 $0x10, s11;
	vm10 =	vlt.u32 v2, $0xF500;
	v2 =	vor.u32 v19, v3;
	vm8 =	vlt.u32 v4, $0xF500  }
0x9b: {  	v4 =	vor.u32 v18, v5;
	vm9 =	vlt.u32 v6, $0xF500;
	v5 =	vor.u32 v20, v8;
	v3 =	vld [tilespmem:s12+$0xFFFFFF90];
	p0 =	slt.u32 s11, $0x1F0;
	[tilespmem:v31+s10+$0x0] =	vst.idx.msk vm5, v1  }
0x9c: {  	vm6 =	vlt.u32 v7, $0xF500;
	v7 =	vor.u32 v21, v9;
	vm5 =	vlt.u32 v10, $0xF500;
	v6 =	vld [tilespmem:s12+$0xFFFFFFA0];
	[tilespmem:v30+s10+$0x0] =	vst.idx.msk vm4, v1  }
0x9d: {  	v9 =	vor.u32 v22, v11;
	v10 =	vor.u32 v25, v14;
	v8 =	vld [tilespmem:s12+$0xFFFFFFB0];
	[tilespmem:v32+s10+$0x0] =	vst.idx.msk vm3, v1;
	vm3 =	vlt.u32 v12, $0xF500  }
0x9e: {  	vm4 =	vlt.u32 v13, $0xF500;
	v12 =	vor.u32 v24, v17;
	v11 =	vld [tilespmem:s12+$0xFFFFFFC0];
	[tilespmem:v29+s10+$0x0] =	vst.idx.msk vm1, v1;
	vm1 =	vlt.u32 v15, $0xF500  }
0x9f: {  	v15 =	vor.u32 v23, v16;
	v13 =	vld [tilespmem:s12+$0xFFFFFFD0];
	v14 =	vsub.s32 v33, v0;
	[tilespmem:v28+s10+$0x0] =	vst.idx.msk vm7, v1  }
0xa0: {  	v17 =	vand.u32 $0x7F, v33;
	v16 =	vld [tilespmem:s12+$0xFFFFFFE0];
	vm7 =	vlt.u32 v14, $0xF500;
	v14 =	vand.u32 $0xFFFFFF80, v14;
	[tilespmem:v27+s10+$0x0] =	vst.idx.msk vm2, v1  }
0xa1: {  	v27 =	vsub.s32 v3, v0;
	v28 =	vsub.s32 v6, v0;
	v18 =	vld [tilespmem:s12+$0xFFFFFFF0];
	v14 =	vor.u32 v17, v14  }
0xa2: {  	v29 =	vand.u32 $0xFFFFFF80, v27;
	v32 =	vand.u32 $0xFFFFFF80, v28;
	v33 =	vsub.s32 v8, v0;
	v17 =	vld [tilespmem:s12+$0x0];
	[tilespmem:v26+s10+$0x0] =	vst.idx.msk vm0, v1  }
0xa3: {  	v26 =	vand.u32 $0x7F, v3;
	v34 =	vand.u32 $0xFFFFFF80, v33;
	v35 =	vsub.s32 v11, v0;
	v20 =	vld [tilespmem:s12+$0x10];
	[tilespmem:v2+s10+$0x0] =	vst.idx.msk vm10, v1  }
0xa4: {  	v36 =	vand.u32 $0x7F, v6;
	v37 =	vand.u32 $0xFFFFFF80, v35;
	v38 =	vsub.s32 v13, v0;
	v21 =	vld [tilespmem:s12+$0x20];
	[tilespmem:v4+s10+$0x0] =	vst.idx.msk vm8, v1  }
0xa5: {  	v39 =	vand.u32 $0x7F, v8;
	v40 =	vand.u32 $0xFFFFFF80, v38;
	v41 =	vsub.s32 v16, v0;
	v22 =	vld [tilespmem:s12+$0x30];
	[tilespmem:v5+s10+$0x0] =	vst.idx.msk vm9, v1  }
0xa6: {  	v42 =	vand.u32 $0x7F, v11;
	v43 =	vand.u32 $0xFFFFFF80, v41;
	v2 =	vsub.s32 v18, v0;
	v23 =	vld [tilespmem:s12+$0x40];
	[tilespmem:v14+s10+$0x0] =	vst.idx.msk vm7, v1  }
0xa7: {  	v44 =	vand.u32 $0x7F, v13;
	v3 =	vand.u32 $0xFFFFFF80, v2;
	v4 =	vsub.s32 v17, v0;
	v24 =	vld [tilespmem:s12+$0x50];
	[tilespmem:v7+s10+$0x0] =	vst.idx.msk vm6, v1  }
0xa8: {  	v45 =	vand.u32 $0x7F, v16;
	v5 =	vand.u32 $0xFFFFFF80, v4;
	v6 =	vsub.s32 v20, v0;
	v30 =	vld [tilespmem:s12+$0x60];
	[tilespmem:v9+s10+$0x0] =	vst.idx.msk vm5, v1  }
0xa9: {  	v19 =	vand.u32 $0x7F, v18;
	v16 =	vld [tilespmem:s12+$0xFFFFFF80];
	v8 =	vand.u32 $0xFFFFFF80, v6;
	v7 =	vsub.s32 v21, v0;
	[tilespmem:v10+s10+$0x0] =	vst.idx.msk vm3, v1  }
0xaa: {  	v18 =	vand.u32 $0x7F, v17;
	v9 =	vand.u32 $0xFFFFFF80, v7;
	v10 =	vsub.s32 v22, v0;
	[tilespmem:v12+s10+$0x0] =	vst.idx.msk vm4, v1  }
0xab: {  	v20 =	vand.u32 $0x7F, v20;
	v11 =	vand.u32 $0xFFFFFF80, v10;
	v12 =	vsub.s32 v23, v0;
	[tilespmem:v15+s10+$0x0] =	vst.idx.msk vm1, v1  }
0xac: {  	v21 =	vand.u32 $0x7F, v21;
	v14 =	vand.u32 $0xFFFFFF80, v12;
	v13 =	vsub.s32 v24, v0  }
0xad: {  	v22 =	vand.u32 $0x7F, v22;
	v17 =	vand.u32 $0xFFFFFF80, v13;
	v15 =	vsub.s32 v30, v0  }
0xae: {  	v31 =	vsub.s32 v16, v0;
	v46 =	vand.u32 $0x7F, v16;
	v16 =	vand.u32 $0xFFFFFF80, v15  }
0xaf: {  	v25 =	vand.u32 $0x7F, v23;
	v24 =	vand.u32 $0x7F, v24;
	v47 =	vand.u32 $0xFFFFFF80, v31  }
.Ltmp2:
0xb0: {  	v23 =	vand.u32 $0x7F, v30;
	vm5 =	vlt.u32 v31, $0xF500;
	v31 =	vor.u32 v46, v47;
	(pc) =	sbr.rel @p0 .LBB2_5-.Ltmp2, $4  }
0xb1: {  	vm3 =	vlt.u32 v28, $0xF500;
	vm4 =	vlt.u32 v27, $0xF500;
	v30 =	vor.u32 v26, v29  }
0xb2: {  	v32 =	vor.u32 v36, v32;
	vm1 =	vlt.u32 v33, $0xF500;
	v29 =	vor.u32 v39, v34  }
0xb3: {  	vm2 =	vlt.u32 v38, $0xF500;
	vm7 =	vlt.u32 v35, $0xF500;
	v28 =	vor.u32 v42, v37  }
0xb4: {  	vm0 =	vlt.u32 v41, $0xF500;
	s12 =	sadd.s32 $0x100, s12;
	v27 =	vor.u32 v44, v40;
	v26 =	vor.u32 v45, v43  }
0xb5: {  	_ =	sdelay $0x4  }
0xb6: {  	[tilespmem:v31+s10+$0x0] =	vst.idx.msk vm5, v1  }
0xb7: {  	vm5 =	vlt.u32 v2, $0xF500;
	[tilespmem:v30+s10+$0x0] =	vst.idx.msk vm4, v1  }
0xb8: {  	v2 =	vor.u32 v19, v3;
	vm4 =	vlt.u32 v4, $0xF500;
	[tilespmem:v32+s10+$0x0] =	vst.idx.msk vm3, v1  }
0xb9: {  	v3 =	vor.u32 v18, v5;
	vm3 =	vlt.u32 v6, $0xF500;
	[tilespmem:v29+s10+$0x0] =	vst.idx.msk vm1, v1  }
0xba: {  	v4 =	vor.u32 v20, v8;
	vm1 =	vlt.u32 v7, $0xF500;
	[tilespmem:v28+s10+$0x0] =	vst.idx.msk vm7, v1  }
0xbb: {  	v5 =	vor.u32 v21, v9;
	vm6 =	vlt.u32 v10, $0xF500;
	[tilespmem:v27+s10+$0x0] =	vst.idx.msk vm2, v1  }
0xbc: {  	v6 =	vor.u32 v22, v11;
	vm2 =	vlt.u32 v12, $0xF500;
	[tilespmem:v26+s10+$0x0] =	vst.idx.msk vm0, v1  }
0xbd: {  	v7 =	vor.u32 v25, v14;
	vm0 =	vlt.u32 v13, $0xF500;
	[tilespmem:v2+s10+$0x0] =	vst.idx.msk vm5, v1  }
0xbe: {  	v2 =	vor.u32 v24, v17;
	vm5 =	vlt.u32 v15, $0xF500;
	[tilespmem:v3+s10+$0x0] =	vst.idx.msk vm4, v1  }
0xbf: {  	v3 =	vor.u32 v23, v16;
	[tilespmem:v4+s10+$0x0] =	vst.idx.msk vm3, v1  }
0xc0: {  	[tilespmem:v5+s10+$0x0] =	vst.idx.msk vm1, v1  }
0xc1: {  	[tilespmem:v6+s10+$0x0] =	vst.idx.msk vm6, v1  }
0xc2: {  	[tilespmem:v7+s10+$0x0] =	vst.idx.msk vm2, v1  }
0xc3: {  	[tilespmem:v2+s10+$0x0] =	vst.idx.msk vm0, v1  }
0xc4: {  	s31 =	simm.s32 $0x3;
	[tilespmem:v3+s10+$0x0] =	vst.idx.msk vm5, v1  }
0xc5: {  	_ =	swait.ge [sflag:s31], $0x2000  }
0xc6: {  	[sflag:s31] =	ssyncset.done $0x0  }
0xc7: {  	s11 =	sor.u32 $0x80, s9;
	[sflag:s31] =	ssyncadd.s32 $0xFFFFE000  }
0xc8: {  	v2 =	vld [tilespmem:s11+$0x70]  }
0xc9: {  	v3 =	vld [tilespmem:s11+$0xFFFFFF90]  }
0xca: {  	v4 =	vld [tilespmem:s11+$0xFFFFFFA0]  }
0xcb: {  	v5 =	vld [tilespmem:s11+$0xFFFFFFB0]  }
0xcc: {  	v6 =	vld [tilespmem:s11+$0xFFFFFFC0]  }
0xcd: {  	v7 =	vld [tilespmem:s11+$0xFFFFFFD0]  }
0xce: {  	v9 =	vld [tilespmem:s11+$0xFFFFFFE0]  }
0xcf: {  	v10 =	vld [tilespmem:s11+$0xFFFFFFF0]  }
0xd0: {  	v11 =	vld [tilespmem:s11+$0x0]  }
0xd1: {  	v12 =	vld [tilespmem:s11+$0x10]  }
0xd2: {  	v1 =	vimm.f32 $1.000000000e+00;
	v13 =	vld [tilespmem:s11+$0x20];
	v8 =	vsub.s32 v2, v0  }
0xd3: {  	v24 =	vld [tilespmem:s11+$0x40];
	v2 =	vand.u32 $0x7F, v2;
	v26 =	vsub.s32 v3, v0;
	v27 =	vsub.s32 v4, v0  }
0xd4: {  	v17 =	vld [tilespmem:s11+$0xFFFFFF80];
	v29 =	vsub.s32 v5, v0;
	v23 =	vand.u32 $0x7F, v3;
	v35 =	vsub.s32 v6, v0  }
0xd5: {  	v44 =	vld [tilespmem:s11+$0x50];
	v63 =	vand.u32 $0x7F, v4;
	v37 =	vsub.s32 v7, v0;
	v38 =	vand.u32 $0x7F, v5  }
0xd6: {  	v15 =	vld [tilespmem:s11+$0x30];
	v40 =	vsub.s32 v9, v0;
	v41 =	vand.u32 $0x7F, v6;
	v43 =	vand.u32 $0x7F, v7  }
0xd7: {  	v4 =	vsub.s32 v11, v0;
	v45 =	vand.u32 $0x7F, v9;
	v6 =	vsub.s32 v12, v0  }
0xd8: {  	v19 =	vand.u32 $0x7F, v10;
	v7 =	vsub.s32 v13, v0;
	v18 =	vand.u32 $0x7F, v11  }
0xd9: {  	v20 =	vand.u32 $0x7F, v12;
	v12 =	vsub.s32 v24, v0;
	v21 =	vand.u32 $0x7F, v13  }
0xda: {  	v47 =	vsub.s32 v17, v0;
	v13 =	vsub.s32 v44, v0;
	v17 =	vand.u32 $0x7F, v17  }
0xdb: {  	v22 =	vand.u32 $0x7F, v15;
	vm0 =	vlt.u32 v8, $0xF500;
	v8 =	vand.u32 $0xFFFFFF80, v8  }
0xdc: {  	v16 =	vand.u32 $0xFFFFFF80, v26;
	v28 =	vand.u32 $0xFFFFFF80, v27;
	v34 =	vand.u32 $0xFFFFFF80, v29  }
0xdd: {  	v46 =	vld [tilespmem:s11+$0x60];
	v36 =	vand.u32 $0xFFFFFF80, v35;
	v39 =	vand.u32 $0xFFFFFF80, v37;
	v42 =	vand.u32 $0xFFFFFF80, v40  }
0xde: {  	v5 =	vand.u32 $0xFFFFFF80, v4;
	v9 =	vand.u32 $0xFFFFFF80, v7;
	v14 =	vand.u32 $0xFFFFFF80, v12  }
0xdf: {  	v25 =	vand.u32 $0xFFFFFF80, v47;
	vm5 =	vlt.u32 v47, $0xF500;
	vm4 =	vlt.u32 v26, $0xF500  }
0xe0: {  	vm3 =	vlt.u32 v27, $0xF500;
	vm1 =	vlt.u32 v29, $0xF500;
	vm7 =	vlt.u32 v35, $0xF500  }
0xe1: {  	vm2 =	vlt.u32 v37, $0xF500;
	v33 =	vor.u32 v2, v8;
	v2 =	vsub.s32 v10, v0  }
0xe2: {  	v8 =	vand.u32 $0xFFFFFF80, v6;
	v10 =	vsub.s32 v15, v0;
	v15 =	vsub.s32 v46, v0  }
0xe3: {  	v31 =	vor.u32 v17, v25;
	v17 =	vand.u32 $0xFFFFFF80, v13;
	v30 =	vor.u32 v23, v16  }
0xe4: {  	v25 =	vand.u32 $0x7F, v24;
	v24 =	vand.u32 $0x7F, v44;
	v23 =	vand.u32 $0x7F, v46  }
0xe5: {  	v32 =	vor.u32 v63, v28;
	v29 =	vor.u32 v38, v34;
	v28 =	vor.u32 v41, v36  }
0xe6: {  	s9 =	simm.s32 $0x10000;
	v27 =	vor.u32 v43, v39;
	v26 =	vor.u32 v45, v42;
	v3 =	vand.u32 $0xFFFFFF80, v2  }
0xe7: {  	s10 =	simm.s32 $0x0;
	s11 =	sadd.s32 $0x100, s11;
	v11 =	vand.u32 $0xFFFFFF80, v10;
	v16 =	vand.u32 $0xFFFFFF80, v15;
	[tilespmem:v33+s9+$0x0] =	vst.idx.msk vm0, v1;
	vm0 =	vlt.u32 v40, $0xF500  }
.LBB2_7:
0xe8: {  	v33 =	vld [tilespmem:s11+$0x70];
	s10 =	sadd.s32 $0x10, s10;
	vm10 =	vlt.u32 v2, $0xF500;
	v2 =	vor.u32 v19, v3;
	vm8 =	vlt.u32 v4, $0xF500  }
0xe9: {  	v4 =	vor.u32 v18, v5;
	vm9 =	vlt.u32 v6, $0xF500;
	v5 =	vor.u32 v20, v8;
	v3 =	vld [tilespmem:s11+$0xFFFFFF90];
	p0 =	slt.u32 s10, $0x1F0;
	[tilespmem:v31+s9+$0x0] =	vst.idx.msk vm5, v1  }
0xea: {  	vm6 =	vlt.u32 v7, $0xF500;
	v7 =	vor.u32 v21, v9;
	vm5 =	vlt.u32 v10, $0xF500;
	v6 =	vld [tilespmem:s11+$0xFFFFFFA0];
	[tilespmem:v30+s9+$0x0] =	vst.idx.msk vm4, v1  }
0xeb: {  	v9 =	vor.u32 v22, v11;
	v10 =	vor.u32 v25, v14;
	v8 =	vld [tilespmem:s11+$0xFFFFFFB0];
	[tilespmem:v32+s9+$0x0] =	vst.idx.msk vm3, v1;
	vm3 =	vlt.u32 v12, $0xF500  }
0xec: {  	vm4 =	vlt.u32 v13, $0xF500;
	v12 =	vor.u32 v24, v17;
	v11 =	vld [tilespmem:s11+$0xFFFFFFC0];
	[tilespmem:v29+s9+$0x0] =	vst.idx.msk vm1, v1;
	vm1 =	vlt.u32 v15, $0xF500  }
0xed: {  	v15 =	vor.u32 v23, v16;
	v13 =	vld [tilespmem:s11+$0xFFFFFFD0];
	v14 =	vsub.s32 v33, v0;
	[tilespmem:v28+s9+$0x0] =	vst.idx.msk vm7, v1  }
0xee: {  	v17 =	vand.u32 $0x7F, v33;
	v16 =	vld [tilespmem:s11+$0xFFFFFFE0];
	vm7 =	vlt.u32 v14, $0xF500;
	v14 =	vand.u32 $0xFFFFFF80, v14;
	[tilespmem:v27+s9+$0x0] =	vst.idx.msk vm2, v1  }
0xef: {  	v27 =	vsub.s32 v3, v0;
	v28 =	vsub.s32 v6, v0;
	v18 =	vld [tilespmem:s11+$0xFFFFFFF0];
	v14 =	vor.u32 v17, v14  }
0xf0: {  	v29 =	vand.u32 $0xFFFFFF80, v27;
	v32 =	vand.u32 $0xFFFFFF80, v28;
	v33 =	vsub.s32 v8, v0;
	v17 =	vld [tilespmem:s11+$0x0];
	[tilespmem:v26+s9+$0x0] =	vst.idx.msk vm0, v1  }
0xf1: {  	v26 =	vand.u32 $0x7F, v3;
	v34 =	vand.u32 $0xFFFFFF80, v33;
	v35 =	vsub.s32 v11, v0;
	v20 =	vld [tilespmem:s11+$0x10];
	[tilespmem:v2+s9+$0x0] =	vst.idx.msk vm10, v1  }
0xf2: {  	v36 =	vand.u32 $0x7F, v6;
	v37 =	vand.u32 $0xFFFFFF80, v35;
	v38 =	vsub.s32 v13, v0;
	v21 =	vld [tilespmem:s11+$0x20];
	[tilespmem:v4+s9+$0x0] =	vst.idx.msk vm8, v1  }
0xf3: {  	v39 =	vand.u32 $0x7F, v8;
	v40 =	vand.u32 $0xFFFFFF80, v38;
	v41 =	vsub.s32 v16, v0;
	v22 =	vld [tilespmem:s11+$0x30];
	[tilespmem:v5+s9+$0x0] =	vst.idx.msk vm9, v1  }
0xf4: {  	v42 =	vand.u32 $0x7F, v11;
	v43 =	vand.u32 $0xFFFFFF80, v41;
	v2 =	vsub.s32 v18, v0;
	v23 =	vld [tilespmem:s11+$0x40];
	[tilespmem:v14+s9+$0x0] =	vst.idx.msk vm7, v1  }
0xf5: {  	v44 =	vand.u32 $0x7F, v13;
	v3 =	vand.u32 $0xFFFFFF80, v2;
	v4 =	vsub.s32 v17, v0;
	v24 =	vld [tilespmem:s11+$0x50];
	[tilespmem:v7+s9+$0x0] =	vst.idx.msk vm6, v1  }
0xf6: {  	v45 =	vand.u32 $0x7F, v16;
	v5 =	vand.u32 $0xFFFFFF80, v4;
	v6 =	vsub.s32 v20, v0;
	v30 =	vld [tilespmem:s11+$0x60];
	[tilespmem:v9+s9+$0x0] =	vst.idx.msk vm5, v1  }
0xf7: {  	v19 =	vand.u32 $0x7F, v18;
	v16 =	vld [tilespmem:s11+$0xFFFFFF80];
	v8 =	vand.u32 $0xFFFFFF80, v6;
	v7 =	vsub.s32 v21, v0;
	[tilespmem:v10+s9+$0x0] =	vst.idx.msk vm3, v1  }
0xf8: {  	v18 =	vand.u32 $0x7F, v17;
	v9 =	vand.u32 $0xFFFFFF80, v7;
	v10 =	vsub.s32 v22, v0;
	[tilespmem:v12+s9+$0x0] =	vst.idx.msk vm4, v1  }
0xf9: {  	v20 =	vand.u32 $0x7F, v20;
	v11 =	vand.u32 $0xFFFFFF80, v10;
	v12 =	vsub.s32 v23, v0;
	[tilespmem:v15+s9+$0x0] =	vst.idx.msk vm1, v1  }
0xfa: {  	v21 =	vand.u32 $0x7F, v21;
	v14 =	vand.u32 $0xFFFFFF80, v12;
	v13 =	vsub.s32 v24, v0  }
0xfb: {  	v22 =	vand.u32 $0x7F, v22;
	v17 =	vand.u32 $0xFFFFFF80, v13;
	v15 =	vsub.s32 v30, v0  }
0xfc: {  	v31 =	vsub.s32 v16, v0;
	v46 =	vand.u32 $0x7F, v16;
	v16 =	vand.u32 $0xFFFFFF80, v15  }
0xfd: {  	v25 =	vand.u32 $0x7F, v23;
	v24 =	vand.u32 $0x7F, v24;
	v47 =	vand.u32 $0xFFFFFF80, v31  }
.Ltmp3:
0xfe: {  	v23 =	vand.u32 $0x7F, v30;
	vm5 =	vlt.u32 v31, $0xF500;
	v31 =	vor.u32 v46, v47;
	(pc) =	sbr.rel @p0 .LBB2_7-.Ltmp3, $4  }
0xff: {  	vm3 =	vlt.u32 v28, $0xF500;
	vm4 =	vlt.u32 v27, $0xF500;
	v30 =	vor.u32 v26, v29  }
0x100: {  	v32 =	vor.u32 v36, v32;
	vm1 =	vlt.u32 v33, $0xF500;
	v29 =	vor.u32 v39, v34  }
0x101: {  	vm2 =	vlt.u32 v38, $0xF500;
	vm7 =	vlt.u32 v35, $0xF500;
	v28 =	vor.u32 v42, v37  }
0x102: {  	vm0 =	vlt.u32 v41, $0xF500;
	s11 =	sadd.s32 $0x100, s11;
	v27 =	vor.u32 v44, v40;
	v26 =	vor.u32 v45, v43  }
0x103: {  	_ =	sdelay $0x4  }
0x104: {  	[tilespmem:v31+s9+$0x0] =	vst.idx.msk vm5, v1  }
0x105: {  	vm5 =	vlt.u32 v2, $0xF500;
	[tilespmem:v30+s9+$0x0] =	vst.idx.msk vm4, v1  }
0x106: {  	v2 =	vor.u32 v19, v3;
	vm4 =	vlt.u32 v4, $0xF500;
	[tilespmem:v32+s9+$0x0] =	vst.idx.msk vm3, v1  }
0x107: {  	v3 =	vor.u32 v18, v5;
	vm3 =	vlt.u32 v6, $0xF500;
	[tilespmem:v29+s9+$0x0] =	vst.idx.msk vm1, v1  }
0x108: {  	v4 =	vor.u32 v20, v8;
	vm1 =	vlt.u32 v7, $0xF500;
	[tilespmem:v28+s9+$0x0] =	vst.idx.msk vm7, v1  }
0x109: {  	v5 =	vor.u32 v21, v9;
	vm6 =	vlt.u32 v10, $0xF500;
	[tilespmem:v27+s9+$0x0] =	vst.idx.msk vm2, v1  }
0x10a: {  	v6 =	vor.u32 v22, v11;
	vm2 =	vlt.u32 v12, $0xF500;
	[tilespmem:v26+s9+$0x0] =	vst.idx.msk vm0, v1  }
0x10b: {  	v7 =	vor.u32 v25, v14;
	vm0 =	vlt.u32 v13, $0xF500;
	[tilespmem:v2+s9+$0x0] =	vst.idx.msk vm5, v1  }
0x10c: {  	v2 =	vor.u32 v24, v17;
	vm5 =	vlt.u32 v15, $0xF500;
	[tilespmem:v3+s9+$0x0] =	vst.idx.msk vm4, v1  }
0x10d: {  	v3 =	vor.u32 v23, v16;
	[tilespmem:v4+s9+$0x0] =	vst.idx.msk vm3, v1  }
0x10e: {  	[tilespmem:v5+s9+$0x0] =	vst.idx.msk vm1, v1  }
0x10f: {  	[tilespmem:v6+s9+$0x0] =	vst.idx.msk vm6, v1  }
0x110: {  	[tilespmem:v7+s9+$0x0] =	vst.idx.msk vm2, v1  }
0x111: {  	[tilespmem:v2+s9+$0x0] =	vst.idx.msk vm0, v1  }
0x112: {  	s31 =	simm.s32 $0x4;
	[tilespmem:v3+s9+$0x0] =	vst.idx.msk vm5, v1  }
0x113: {  	_ =	swait.ge [sflag:s31], $0x2000  }
0x114: {  	[sflag:s31] =	ssyncset.done $0x0  }
0x115: {  	s10 =	sor.u32 $0x80, s8;
	[sflag:s31] =	ssyncadd.s32 $0xFFFFE000  }
0x116: {  	v2 =	vld [tilespmem:s10+$0x70]  }
0x117: {  	v3 =	vld [tilespmem:s10+$0xFFFFFF90]  }
0x118: {  	v4 =	vld [tilespmem:s10+$0xFFFFFFA0]  }
0x119: {  	v5 =	vld [tilespmem:s10+$0xFFFFFFB0]  }
0x11a: {  	v6 =	vld [tilespmem:s10+$0xFFFFFFC0]  }
0x11b: {  	v7 =	vld [tilespmem:s10+$0xFFFFFFD0]  }
0x11c: {  	v9 =	vld [tilespmem:s10+$0xFFFFFFE0]  }
0x11d: {  	v10 =	vld [tilespmem:s10+$0xFFFFFFF0]  }
0x11e: {  	v11 =	vld [tilespmem:s10+$0x0]  }
0x11f: {  	v12 =	vld [tilespmem:s10+$0x10]  }
0x120: {  	v1 =	vimm.f32 $1.000000000e+00;
	v13 =	vld [tilespmem:s10+$0x20];
	v8 =	vsub.s32 v2, v0  }
0x121: {  	v24 =	vld [tilespmem:s10+$0x40];
	v2 =	vand.u32 $0x7F, v2;
	v26 =	vsub.s32 v3, v0;
	v27 =	vsub.s32 v4, v0  }
0x122: {  	v17 =	vld [tilespmem:s10+$0xFFFFFF80];
	v29 =	vsub.s32 v5, v0;
	v23 =	vand.u32 $0x7F, v3;
	v35 =	vsub.s32 v6, v0  }
0x123: {  	v44 =	vld [tilespmem:s10+$0x50];
	v63 =	vand.u32 $0x7F, v4;
	v37 =	vsub.s32 v7, v0;
	v38 =	vand.u32 $0x7F, v5  }
0x124: {  	v15 =	vld [tilespmem:s10+$0x30];
	v40 =	vsub.s32 v9, v0;
	v41 =	vand.u32 $0x7F, v6;
	v43 =	vand.u32 $0x7F, v7  }
0x125: {  	v4 =	vsub.s32 v11, v0;
	v45 =	vand.u32 $0x7F, v9;
	v6 =	vsub.s32 v12, v0  }
0x126: {  	v19 =	vand.u32 $0x7F, v10;
	v7 =	vsub.s32 v13, v0;
	v18 =	vand.u32 $0x7F, v11  }
0x127: {  	v20 =	vand.u32 $0x7F, v12;
	v12 =	vsub.s32 v24, v0;
	v21 =	vand.u32 $0x7F, v13  }
0x128: {  	v47 =	vsub.s32 v17, v0;
	v13 =	vsub.s32 v44, v0;
	v17 =	vand.u32 $0x7F, v17  }
0x129: {  	v22 =	vand.u32 $0x7F, v15;
	vm0 =	vlt.u32 v8, $0xF500;
	v8 =	vand.u32 $0xFFFFFF80, v8  }
0x12a: {  	v16 =	vand.u32 $0xFFFFFF80, v26;
	v28 =	vand.u32 $0xFFFFFF80, v27;
	v34 =	vand.u32 $0xFFFFFF80, v29  }
0x12b: {  	v46 =	vld [tilespmem:s10+$0x60];
	v36 =	vand.u32 $0xFFFFFF80, v35;
	v39 =	vand.u32 $0xFFFFFF80, v37;
	v42 =	vand.u32 $0xFFFFFF80, v40  }
0x12c: {  	v5 =	vand.u32 $0xFFFFFF80, v4;
	v9 =	vand.u32 $0xFFFFFF80, v7;
	v14 =	vand.u32 $0xFFFFFF80, v12  }
0x12d: {  	v25 =	vand.u32 $0xFFFFFF80, v47;
	vm5 =	vlt.u32 v47, $0xF500;
	vm4 =	vlt.u32 v26, $0xF500  }
0x12e: {  	vm3 =	vlt.u32 v27, $0xF500;
	vm1 =	vlt.u32 v29, $0xF500;
	vm7 =	vlt.u32 v35, $0xF500  }
0x12f: {  	vm2 =	vlt.u32 v37, $0xF500;
	v33 =	vor.u32 v2, v8;
	v2 =	vsub.s32 v10, v0  }
0x130: {  	v8 =	vand.u32 $0xFFFFFF80, v6;
	v10 =	vsub.s32 v15, v0;
	v15 =	vsub.s32 v46, v0  }
0x131: {  	v31 =	vor.u32 v17, v25;
	v17 =	vand.u32 $0xFFFFFF80, v13;
	v30 =	vor.u32 v23, v16  }
0x132: {  	v25 =	vand.u32 $0x7F, v24;
	v24 =	vand.u32 $0x7F, v44;
	v23 =	vand.u32 $0x7F, v46  }
0x133: {  	v32 =	vor.u32 v63, v28;
	v29 =	vor.u32 v38, v34;
	v28 =	vor.u32 v41, v36  }
0x134: {  	s8 =	simm.s32 $0x10000;
	v27 =	vor.u32 v43, v39;
	v26 =	vor.u32 v45, v42;
	v3 =	vand.u32 $0xFFFFFF80, v2  }
0x135: {  	s9 =	simm.s32 $0x0;
	s10 =	sadd.s32 $0x100, s10;
	v11 =	vand.u32 $0xFFFFFF80, v10;
	v16 =	vand.u32 $0xFFFFFF80, v15;
	[tilespmem:v33+s8+$0x0] =	vst.idx.msk vm0, v1;
	vm0 =	vlt.u32 v40, $0xF500  }
.LBB2_9:
0x136: {  	v33 =	vld [tilespmem:s10+$0x70];
	s9 =	sadd.s32 $0x10, s9;
	vm10 =	vlt.u32 v2, $0xF500;
	v2 =	vor.u32 v19, v3;
	vm8 =	vlt.u32 v4, $0xF500  }
0x137: {  	v4 =	vor.u32 v18, v5;
	vm9 =	vlt.u32 v6, $0xF500;
	v5 =	vor.u32 v20, v8;
	v3 =	vld [tilespmem:s10+$0xFFFFFF90];
	p0 =	slt.u32 s9, $0x1F0;
	[tilespmem:v31+s8+$0x0] =	vst.idx.msk vm5, v1  }
0x138: {  	vm6 =	vlt.u32 v7, $0xF500;
	v7 =	vor.u32 v21, v9;
	vm5 =	vlt.u32 v10, $0xF500;
	v6 =	vld [tilespmem:s10+$0xFFFFFFA0];
	[tilespmem:v30+s8+$0x0] =	vst.idx.msk vm4, v1  }
0x139: {  	v9 =	vor.u32 v22, v11;
	v10 =	vor.u32 v25, v14;
	v8 =	vld [tilespmem:s10+$0xFFFFFFB0];
	[tilespmem:v32+s8+$0x0] =	vst.idx.msk vm3, v1;
	vm3 =	vlt.u32 v12, $0xF500  }
0x13a: {  	vm4 =	vlt.u32 v13, $0xF500;
	v12 =	vor.u32 v24, v17;
	v11 =	vld [tilespmem:s10+$0xFFFFFFC0];
	[tilespmem:v29+s8+$0x0] =	vst.idx.msk vm1, v1;
	vm1 =	vlt.u32 v15, $0xF500  }
0x13b: {  	v15 =	vor.u32 v23, v16;
	v13 =	vld [tilespmem:s10+$0xFFFFFFD0];
	v14 =	vsub.s32 v33, v0;
	[tilespmem:v28+s8+$0x0] =	vst.idx.msk vm7, v1  }
0x13c: {  	v17 =	vand.u32 $0x7F, v33;
	v16 =	vld [tilespmem:s10+$0xFFFFFFE0];
	vm7 =	vlt.u32 v14, $0xF500;
	v14 =	vand.u32 $0xFFFFFF80, v14;
	[tilespmem:v27+s8+$0x0] =	vst.idx.msk vm2, v1  }
0x13d: {  	v27 =	vsub.s32 v3, v0;
	v28 =	vsub.s32 v6, v0;
	v18 =	vld [tilespmem:s10+$0xFFFFFFF0];
	v14 =	vor.u32 v17, v14  }
0x13e: {  	v29 =	vand.u32 $0xFFFFFF80, v27;
	v32 =	vand.u32 $0xFFFFFF80, v28;
	v33 =	vsub.s32 v8, v0;
	v17 =	vld [tilespmem:s10+$0x0];
	[tilespmem:v26+s8+$0x0] =	vst.idx.msk vm0, v1  }
0x13f: {  	v26 =	vand.u32 $0x7F, v3;
	v34 =	vand.u32 $0xFFFFFF80, v33;
	v35 =	vsub.s32 v11, v0;
	v20 =	vld [tilespmem:s10+$0x10];
	[tilespmem:v2+s8+$0x0] =	vst.idx.msk vm10, v1  }
0x140: {  	v36 =	vand.u32 $0x7F, v6;
	v37 =	vand.u32 $0xFFFFFF80, v35;
	v38 =	vsub.s32 v13, v0;
	v21 =	vld [tilespmem:s10+$0x20];
	[tilespmem:v4+s8+$0x0] =	vst.idx.msk vm8, v1  }
0x141: {  	v39 =	vand.u32 $0x7F, v8;
	v40 =	vand.u32 $0xFFFFFF80, v38;
	v41 =	vsub.s32 v16, v0;
	v22 =	vld [tilespmem:s10+$0x30];
	[tilespmem:v5+s8+$0x0] =	vst.idx.msk vm9, v1  }
0x142: {  	v42 =	vand.u32 $0x7F, v11;
	v43 =	vand.u32 $0xFFFFFF80, v41;
	v2 =	vsub.s32 v18, v0;
	v23 =	vld [tilespmem:s10+$0x40];
	[tilespmem:v14+s8+$0x0] =	vst.idx.msk vm7, v1  }
0x143: {  	v44 =	vand.u32 $0x7F, v13;
	v3 =	vand.u32 $0xFFFFFF80, v2;
	v4 =	vsub.s32 v17, v0;
	v24 =	vld [tilespmem:s10+$0x50];
	[tilespmem:v7+s8+$0x0] =	vst.idx.msk vm6, v1  }
0x144: {  	v45 =	vand.u32 $0x7F, v16;
	v5 =	vand.u32 $0xFFFFFF80, v4;
	v6 =	vsub.s32 v20, v0;
	v30 =	vld [tilespmem:s10+$0x60];
	[tilespmem:v9+s8+$0x0] =	vst.idx.msk vm5, v1  }
0x145: {  	v19 =	vand.u32 $0x7F, v18;
	v16 =	vld [tilespmem:s10+$0xFFFFFF80];
	v8 =	vand.u32 $0xFFFFFF80, v6;
	v7 =	vsub.s32 v21, v0;
	[tilespmem:v10+s8+$0x0] =	vst.idx.msk vm3, v1  }
0x146: {  	v18 =	vand.u32 $0x7F, v17;
	v9 =	vand.u32 $0xFFFFFF80, v7;
	v10 =	vsub.s32 v22, v0;
	[tilespmem:v12+s8+$0x0] =	vst.idx.msk vm4, v1  }
0x147: {  	v20 =	vand.u32 $0x7F, v20;
	v11 =	vand.u32 $0xFFFFFF80, v10;
	v12 =	vsub.s32 v23, v0;
	[tilespmem:v15+s8+$0x0] =	vst.idx.msk vm1, v1  }
0x148: {  	v21 =	vand.u32 $0x7F, v21;
	v14 =	vand.u32 $0xFFFFFF80, v12;
	v13 =	vsub.s32 v24, v0  }
0x149: {  	v22 =	vand.u32 $0x7F, v22;
	v17 =	vand.u32 $0xFFFFFF80, v13;
	v15 =	vsub.s32 v30, v0  }
0x14a: {  	v31 =	vsub.s32 v16, v0;
	v46 =	vand.u32 $0x7F, v16;
	v16 =	vand.u32 $0xFFFFFF80, v15  }
0x14b: {  	v25 =	vand.u32 $0x7F, v23;
	v24 =	vand.u32 $0x7F, v24;
	v47 =	vand.u32 $0xFFFFFF80, v31  }
.Ltmp4:
0x14c: {  	v23 =	vand.u32 $0x7F, v30;
	vm5 =	vlt.u32 v31, $0xF500;
	v31 =	vor.u32 v46, v47;
	(pc) =	sbr.rel @p0 .LBB2_9-.Ltmp4, $4  }
0x14d: {  	vm3 =	vlt.u32 v28, $0xF500;
	vm4 =	vlt.u32 v27, $0xF500;
	v30 =	vor.u32 v26, v29  }
0x14e: {  	v32 =	vor.u32 v36, v32;
	vm1 =	vlt.u32 v33, $0xF500;
	v29 =	vor.u32 v39, v34  }
0x14f: {  	vm2 =	vlt.u32 v38, $0xF500;
	vm7 =	vlt.u32 v35, $0xF500;
	v28 =	vor.u32 v42, v37  }
0x150: {  	vm0 =	vlt.u32 v41, $0xF500;
	s10 =	sadd.s32 $0x100, s10;
	v27 =	vor.u32 v44, v40;
	v26 =	vor.u32 v45, v43  }
0x151: {  	_ =	sdelay $0x4  }
0x152: {  	[tilespmem:v31+s8+$0x0] =	vst.idx.msk vm5, v1  }
0x153: {  	vm5 =	vlt.u32 v2, $0xF500;
	[tilespmem:v30+s8+$0x0] =	vst.idx.msk vm4, v1  }
0x154: {  	v2 =	vor.u32 v19, v3;
	vm4 =	vlt.u32 v4, $0xF500;
	[tilespmem:v32+s8+$0x0] =	vst.idx.msk vm3, v1  }
0x155: {  	v3 =	vor.u32 v18, v5;
	vm3 =	vlt.u32 v6, $0xF500;
	[tilespmem:v29+s8+$0x0] =	vst.idx.msk vm1, v1  }
0x156: {  	v4 =	vor.u32 v20, v8;
	vm1 =	vlt.u32 v7, $0xF500;
	[tilespmem:v28+s8+$0x0] =	vst.idx.msk vm7, v1  }
0x157: {  	v5 =	vor.u32 v21, v9;
	vm6 =	vlt.u32 v10, $0xF500;
	[tilespmem:v27+s8+$0x0] =	vst.idx.msk vm2, v1  }
0x158: {  	v6 =	vor.u32 v22, v11;
	vm2 =	vlt.u32 v12, $0xF500;
	[tilespmem:v26+s8+$0x0] =	vst.idx.msk vm0, v1  }
0x159: {  	v7 =	vor.u32 v25, v14;
	vm0 =	vlt.u32 v13, $0xF500;
	[tilespmem:v2+s8+$0x0] =	vst.idx.msk vm5, v1  }
0x15a: {  	v2 =	vor.u32 v24, v17;
	vm5 =	vlt.u32 v15, $0xF500;
	[tilespmem:v3+s8+$0x0] =	vst.idx.msk vm4, v1  }
0x15b: {  	v3 =	vor.u32 v23, v16;
	[tilespmem:v4+s8+$0x0] =	vst.idx.msk vm3, v1  }
0x15c: {  	[tilespmem:v5+s8+$0x0] =	vst.idx.msk vm1, v1  }
0x15d: {  	[tilespmem:v6+s8+$0x0] =	vst.idx.msk vm6, v1  }
0x15e: {  	[tilespmem:v7+s8+$0x0] =	vst.idx.msk vm2, v1  }
0x15f: {  	[tilespmem:v2+s8+$0x0] =	vst.idx.msk vm0, v1  }
0x160: {  	s31 =	simm.s32 $0x5;
	[tilespmem:v3+s8+$0x0] =	vst.idx.msk vm5, v1  }
0x161: {  	_ =	swait.ge [sflag:s31], $0x2000  }
0x162: {  	[sflag:s31] =	ssyncset.done $0x0  }
0x163: {  	s9 =	sadd.s32 $0x80, s7;
	[sflag:s31] =	ssyncadd.s32 $0xFFFFE000  }
0x164: {  	v2 =	vld [tilespmem:s9+$0x70]  }
0x165: {  	v3 =	vld [tilespmem:s9+$0xFFFFFF90]  }
0x166: {  	v4 =	vld [tilespmem:s9+$0xFFFFFFA0]  }
0x167: {  	v5 =	vld [tilespmem:s9+$0xFFFFFFB0]  }
0x168: {  	v6 =	vld [tilespmem:s9+$0xFFFFFFC0]  }
0x169: {  	v7 =	vld [tilespmem:s9+$0xFFFFFFD0]  }
0x16a: {  	v9 =	vld [tilespmem:s9+$0xFFFFFFE0]  }
0x16b: {  	v10 =	vld [tilespmem:s9+$0xFFFFFFF0]  }
0x16c: {  	v11 =	vld [tilespmem:s9+$0x0]  }
0x16d: {  	v12 =	vld [tilespmem:s9+$0x10]  }
0x16e: {  	v1 =	vimm.f32 $1.000000000e+00;
	v13 =	vld [tilespmem:s9+$0x20];
	v8 =	vsub.s32 v2, v0  }
0x16f: {  	v24 =	vld [tilespmem:s9+$0x40];
	v2 =	vand.u32 $0x7F, v2;
	v26 =	vsub.s32 v3, v0;
	v27 =	vsub.s32 v4, v0  }
0x170: {  	v17 =	vld [tilespmem:s9+$0xFFFFFF80];
	v29 =	vsub.s32 v5, v0;
	v23 =	vand.u32 $0x7F, v3;
	v35 =	vsub.s32 v6, v0  }
0x171: {  	v44 =	vld [tilespmem:s9+$0x50];
	v63 =	vand.u32 $0x7F, v4;
	v37 =	vsub.s32 v7, v0;
	v38 =	vand.u32 $0x7F, v5  }
0x172: {  	v15 =	vld [tilespmem:s9+$0x30];
	v40 =	vsub.s32 v9, v0;
	v41 =	vand.u32 $0x7F, v6;
	v43 =	vand.u32 $0x7F, v7  }
0x173: {  	v4 =	vsub.s32 v11, v0;
	v45 =	vand.u32 $0x7F, v9;
	v6 =	vsub.s32 v12, v0  }
0x174: {  	v19 =	vand.u32 $0x7F, v10;
	v7 =	vsub.s32 v13, v0;
	v18 =	vand.u32 $0x7F, v11  }
0x175: {  	v20 =	vand.u32 $0x7F, v12;
	v12 =	vsub.s32 v24, v0;
	v21 =	vand.u32 $0x7F, v13  }
0x176: {  	v47 =	vsub.s32 v17, v0;
	v13 =	vsub.s32 v44, v0;
	v17 =	vand.u32 $0x7F, v17  }
0x177: {  	v22 =	vand.u32 $0x7F, v15;
	vm0 =	vlt.u32 v8, $0xF500;
	v8 =	vand.u32 $0xFFFFFF80, v8  }
0x178: {  	v16 =	vand.u32 $0xFFFFFF80, v26;
	v28 =	vand.u32 $0xFFFFFF80, v27;
	v34 =	vand.u32 $0xFFFFFF80, v29  }
0x179: {  	v46 =	vld [tilespmem:s9+$0x60];
	v36 =	vand.u32 $0xFFFFFF80, v35;
	v39 =	vand.u32 $0xFFFFFF80, v37;
	v42 =	vand.u32 $0xFFFFFF80, v40  }
0x17a: {  	v5 =	vand.u32 $0xFFFFFF80, v4;
	v9 =	vand.u32 $0xFFFFFF80, v7;
	v14 =	vand.u32 $0xFFFFFF80, v12  }
0x17b: {  	v25 =	vand.u32 $0xFFFFFF80, v47;
	vm5 =	vlt.u32 v47, $0xF500;
	vm4 =	vlt.u32 v26, $0xF500  }
0x17c: {  	vm3 =	vlt.u32 v27, $0xF500;
	vm1 =	vlt.u32 v29, $0xF500;
	vm7 =	vlt.u32 v35, $0xF500  }
0x17d: {  	vm2 =	vlt.u32 v37, $0xF500;
	v33 =	vor.u32 v2, v8;
	v2 =	vsub.s32 v10, v0  }
0x17e: {  	v8 =	vand.u32 $0xFFFFFF80, v6;
	v10 =	vsub.s32 v15, v0;
	v15 =	vsub.s32 v46, v0  }
0x17f: {  	v31 =	vor.u32 v17, v25;
	v17 =	vand.u32 $0xFFFFFF80, v13;
	v30 =	vor.u32 v23, v16  }
0x180: {  	v25 =	vand.u32 $0x7F, v24;
	v24 =	vand.u32 $0x7F, v44;
	v23 =	vand.u32 $0x7F, v46  }
0x181: {  	v32 =	vor.u32 v63, v28;
	v29 =	vor.u32 v38, v34;
	v28 =	vor.u32 v41, v36  }
0x182: {  	s7 =	simm.s32 $0x10000;
	v27 =	vor.u32 v43, v39;
	v26 =	vor.u32 v45, v42;
	v3 =	vand.u32 $0xFFFFFF80, v2  }
0x183: {  	s8 =	simm.s32 $0x0;
	s9 =	sadd.s32 $0x100, s9;
	v11 =	vand.u32 $0xFFFFFF80, v10;
	v16 =	vand.u32 $0xFFFFFF80, v15;
	[tilespmem:v33+s7+$0x0] =	vst.idx.msk vm0, v1;
	vm0 =	vlt.u32 v40, $0xF500  }
.LBB2_11:
0x184: {  	v33 =	vld [tilespmem:s9+$0x70];
	s8 =	sadd.s32 $0x10, s8;
	vm10 =	vlt.u32 v2, $0xF500;
	v2 =	vor.u32 v19, v3;
	vm8 =	vlt.u32 v4, $0xF500  }
0x185: {  	v4 =	vor.u32 v18, v5;
	vm9 =	vlt.u32 v6, $0xF500;
	v5 =	vor.u32 v20, v8;
	v3 =	vld [tilespmem:s9+$0xFFFFFF90];
	p0 =	slt.u32 s8, $0x1F0;
	[tilespmem:v31+s7+$0x0] =	vst.idx.msk vm5, v1  }
0x186: {  	vm6 =	vlt.u32 v7, $0xF500;
	v7 =	vor.u32 v21, v9;
	vm5 =	vlt.u32 v10, $0xF500;
	v6 =	vld [tilespmem:s9+$0xFFFFFFA0];
	[tilespmem:v30+s7+$0x0] =	vst.idx.msk vm4, v1  }
0x187: {  	v9 =	vor.u32 v22, v11;
	v10 =	vor.u32 v25, v14;
	v8 =	vld [tilespmem:s9+$0xFFFFFFB0];
	[tilespmem:v32+s7+$0x0] =	vst.idx.msk vm3, v1;
	vm3 =	vlt.u32 v12, $0xF500  }
0x188: {  	vm4 =	vlt.u32 v13, $0xF500;
	v12 =	vor.u32 v24, v17;
	v11 =	vld [tilespmem:s9+$0xFFFFFFC0];
	[tilespmem:v29+s7+$0x0] =	vst.idx.msk vm1, v1;
	vm1 =	vlt.u32 v15, $0xF500  }
0x189: {  	v15 =	vor.u32 v23, v16;
	v13 =	vld [tilespmem:s9+$0xFFFFFFD0];
	v14 =	vsub.s32 v33, v0;
	[tilespmem:v28+s7+$0x0] =	vst.idx.msk vm7, v1  }
0x18a: {  	v17 =	vand.u32 $0x7F, v33;
	v16 =	vld [tilespmem:s9+$0xFFFFFFE0];
	vm7 =	vlt.u32 v14, $0xF500;
	v14 =	vand.u32 $0xFFFFFF80, v14;
	[tilespmem:v27+s7+$0x0] =	vst.idx.msk vm2, v1  }
0x18b: {  	v27 =	vsub.s32 v3, v0;
	v28 =	vsub.s32 v6, v0;
	v18 =	vld [tilespmem:s9+$0xFFFFFFF0];
	v14 =	vor.u32 v17, v14  }
0x18c: {  	v29 =	vand.u32 $0xFFFFFF80, v27;
	v32 =	vand.u32 $0xFFFFFF80, v28;
	v33 =	vsub.s32 v8, v0;
	v17 =	vld [tilespmem:s9+$0x0];
	[tilespmem:v26+s7+$0x0] =	vst.idx.msk vm0, v1  }
0x18d: {  	v26 =	vand.u32 $0x7F, v3;
	v34 =	vand.u32 $0xFFFFFF80, v33;
	v35 =	vsub.s32 v11, v0;
	v20 =	vld [tilespmem:s9+$0x10];
	[tilespmem:v2+s7+$0x0] =	vst.idx.msk vm10, v1  }
0x18e: {  	v36 =	vand.u32 $0x7F, v6;
	v37 =	vand.u32 $0xFFFFFF80, v35;
	v38 =	vsub.s32 v13, v0;
	v21 =	vld [tilespmem:s9+$0x20];
	[tilespmem:v4+s7+$0x0] =	vst.idx.msk vm8, v1  }
0x18f: {  	v39 =	vand.u32 $0x7F, v8;
	v40 =	vand.u32 $0xFFFFFF80, v38;
	v41 =	vsub.s32 v16, v0;
	v22 =	vld [tilespmem:s9+$0x30];
	[tilespmem:v5+s7+$0x0] =	vst.idx.msk vm9, v1  }
0x190: {  	v42 =	vand.u32 $0x7F, v11;
	v43 =	vand.u32 $0xFFFFFF80, v41;
	v2 =	vsub.s32 v18, v0;
	v23 =	vld [tilespmem:s9+$0x40];
	[tilespmem:v14+s7+$0x0] =	vst.idx.msk vm7, v1  }
0x191: {  	v44 =	vand.u32 $0x7F, v13;
	v3 =	vand.u32 $0xFFFFFF80, v2;
	v4 =	vsub.s32 v17, v0;
	v24 =	vld [tilespmem:s9+$0x50];
	[tilespmem:v7+s7+$0x0] =	vst.idx.msk vm6, v1  }
0x192: {  	v45 =	vand.u32 $0x7F, v16;
	v5 =	vand.u32 $0xFFFFFF80, v4;
	v6 =	vsub.s32 v20, v0;
	v30 =	vld [tilespmem:s9+$0x60];
	[tilespmem:v9+s7+$0x0] =	vst.idx.msk vm5, v1  }
0x193: {  	v19 =	vand.u32 $0x7F, v18;
	v16 =	vld [tilespmem:s9+$0xFFFFFF80];
	v8 =	vand.u32 $0xFFFFFF80, v6;
	v7 =	vsub.s32 v21, v0;
	[tilespmem:v10+s7+$0x0] =	vst.idx.msk vm3, v1  }
0x194: {  	v18 =	vand.u32 $0x7F, v17;
	v9 =	vand.u32 $0xFFFFFF80, v7;
	v10 =	vsub.s32 v22, v0;
	[tilespmem:v12+s7+$0x0] =	vst.idx.msk vm4, v1  }
0x195: {  	v20 =	vand.u32 $0x7F, v20;
	v11 =	vand.u32 $0xFFFFFF80, v10;
	v12 =	vsub.s32 v23, v0;
	[tilespmem:v15+s7+$0x0] =	vst.idx.msk vm1, v1  }
0x196: {  	v21 =	vand.u32 $0x7F, v21;
	v14 =	vand.u32 $0xFFFFFF80, v12;
	v13 =	vsub.s32 v24, v0  }
0x197: {  	v22 =	vand.u32 $0x7F, v22;
	v17 =	vand.u32 $0xFFFFFF80, v13;
	v15 =	vsub.s32 v30, v0  }
0x198: {  	v31 =	vsub.s32 v16, v0;
	v46 =	vand.u32 $0x7F, v16;
	v16 =	vand.u32 $0xFFFFFF80, v15  }
0x199: {  	v25 =	vand.u32 $0x7F, v23;
	v24 =	vand.u32 $0x7F, v24;
	v47 =	vand.u32 $0xFFFFFF80, v31  }
.Ltmp5:
0x19a: {  	v23 =	vand.u32 $0x7F, v30;
	vm5 =	vlt.u32 v31, $0xF500;
	v31 =	vor.u32 v46, v47;
	(pc) =	sbr.rel @p0 .LBB2_11-.Ltmp5, $4  }
0x19b: {  	vm3 =	vlt.u32 v28, $0xF500;
	vm4 =	vlt.u32 v27, $0xF500;
	v30 =	vor.u32 v26, v29  }
0x19c: {  	v32 =	vor.u32 v36, v32;
	vm1 =	vlt.u32 v33, $0xF500;
	v29 =	vor.u32 v39, v34  }
0x19d: {  	vm2 =	vlt.u32 v38, $0xF500;
	vm7 =	vlt.u32 v35, $0xF500;
	v28 =	vor.u32 v42, v37  }
0x19e: {  	vm0 =	vlt.u32 v41, $0xF500;
	s9 =	sadd.s32 $0x100, s9;
	v27 =	vor.u32 v44, v40;
	v26 =	vor.u32 v45, v43  }
0x19f: {  	_ =	sdelay $0x4  }
0x1a0: {  	[tilespmem:v31+s7+$0x0] =	vst.idx.msk vm5, v1  }
0x1a1: {  	vm5 =	vlt.u32 v2, $0xF500;
	[tilespmem:v30+s7+$0x0] =	vst.idx.msk vm4, v1  }
0x1a2: {  	v2 =	vor.u32 v19, v3;
	vm4 =	vlt.u32 v4, $0xF500;
	[tilespmem:v32+s7+$0x0] =	vst.idx.msk vm3, v1  }
0x1a3: {  	v3 =	vor.u32 v18, v5;
	vm3 =	vlt.u32 v6, $0xF500;
	[tilespmem:v29+s7+$0x0] =	vst.idx.msk vm1, v1  }
0x1a4: {  	v4 =	vor.u32 v20, v8;
	vm1 =	vlt.u32 v7, $0xF500;
	[tilespmem:v28+s7+$0x0] =	vst.idx.msk vm7, v1  }
0x1a5: {  	v5 =	vor.u32 v21, v9;
	vm6 =	vlt.u32 v10, $0xF500;
	[tilespmem:v27+s7+$0x0] =	vst.idx.msk vm2, v1  }
0x1a6: {  	v6 =	vor.u32 v22, v11;
	vm2 =	vlt.u32 v12, $0xF500;
	[tilespmem:v26+s7+$0x0] =	vst.idx.msk vm0, v1  }
0x1a7: {  	v7 =	vor.u32 v25, v14;
	vm0 =	vlt.u32 v13, $0xF500;
	[tilespmem:v2+s7+$0x0] =	vst.idx.msk vm5, v1  }
0x1a8: {  	v2 =	vor.u32 v24, v17;
	vm5 =	vlt.u32 v15, $0xF500;
	[tilespmem:v3+s7+$0x0] =	vst.idx.msk vm4, v1  }
0x1a9: {  	v3 =	vor.u32 v23, v16;
	[tilespmem:v4+s7+$0x0] =	vst.idx.msk vm3, v1  }
0x1aa: {  	[tilespmem:v5+s7+$0x0] =	vst.idx.msk vm1, v1  }
0x1ab: {  	[tilespmem:v6+s7+$0x0] =	vst.idx.msk vm6, v1  }
0x1ac: {  	[tilespmem:v7+s7+$0x0] =	vst.idx.msk vm2, v1  }
0x1ad: {  	[tilespmem:v2+s7+$0x0] =	vst.idx.msk vm0, v1  }
0x1ae: {  	s31 =	simm.s32 $0x6;
	[tilespmem:v3+s7+$0x0] =	vst.idx.msk vm5, v1  }
0x1af: {  	_ =	swait.ge [sflag:s31], $0x2000  }
0x1b0: {  	[sflag:s31] =	ssyncset.done $0x0  }
0x1b1: {  	s8 =	sor.u32 $0x80, s6;
	[sflag:s31] =	ssyncadd.s32 $0xFFFFE000  }
0x1b2: {  	v2 =	vld [tilespmem:s8+$0x70]  }
0x1b3: {  	v3 =	vld [tilespmem:s8+$0xFFFFFF90]  }
0x1b4: {  	v4 =	vld [tilespmem:s8+$0xFFFFFFA0]  }
0x1b5: {  	v5 =	vld [tilespmem:s8+$0xFFFFFFB0]  }
0x1b6: {  	v6 =	vld [tilespmem:s8+$0xFFFFFFC0]  }
0x1b7: {  	v7 =	vld [tilespmem:s8+$0xFFFFFFD0]  }
0x1b8: {  	v9 =	vld [tilespmem:s8+$0xFFFFFFE0]  }
0x1b9: {  	v10 =	vld [tilespmem:s8+$0xFFFFFFF0]  }
0x1ba: {  	v11 =	vld [tilespmem:s8+$0x0]  }
0x1bb: {  	v12 =	vld [tilespmem:s8+$0x10]  }
0x1bc: {  	v1 =	vimm.f32 $1.000000000e+00;
	v13 =	vld [tilespmem:s8+$0x20];
	v8 =	vsub.s32 v2, v0  }
0x1bd: {  	v24 =	vld [tilespmem:s8+$0x40];
	v2 =	vand.u32 $0x7F, v2;
	v26 =	vsub.s32 v3, v0;
	v27 =	vsub.s32 v4, v0  }
0x1be: {  	v17 =	vld [tilespmem:s8+$0xFFFFFF80];
	v29 =	vsub.s32 v5, v0;
	v23 =	vand.u32 $0x7F, v3;
	v35 =	vsub.s32 v6, v0  }
0x1bf: {  	v44 =	vld [tilespmem:s8+$0x50];
	v63 =	vand.u32 $0x7F, v4;
	v37 =	vsub.s32 v7, v0;
	v38 =	vand.u32 $0x7F, v5  }
0x1c0: {  	v15 =	vld [tilespmem:s8+$0x30];
	v40 =	vsub.s32 v9, v0;
	v41 =	vand.u32 $0x7F, v6;
	v43 =	vand.u32 $0x7F, v7  }
0x1c1: {  	v4 =	vsub.s32 v11, v0;
	v45 =	vand.u32 $0x7F, v9;
	v6 =	vsub.s32 v12, v0  }
0x1c2: {  	v19 =	vand.u32 $0x7F, v10;
	v7 =	vsub.s32 v13, v0;
	v18 =	vand.u32 $0x7F, v11  }
0x1c3: {  	v20 =	vand.u32 $0x7F, v12;
	v12 =	vsub.s32 v24, v0;
	v21 =	vand.u32 $0x7F, v13  }
0x1c4: {  	v47 =	vsub.s32 v17, v0;
	v13 =	vsub.s32 v44, v0;
	v17 =	vand.u32 $0x7F, v17  }
0x1c5: {  	v22 =	vand.u32 $0x7F, v15;
	vm0 =	vlt.u32 v8, $0xF500;
	v8 =	vand.u32 $0xFFFFFF80, v8  }
0x1c6: {  	v16 =	vand.u32 $0xFFFFFF80, v26;
	v28 =	vand.u32 $0xFFFFFF80, v27;
	v34 =	vand.u32 $0xFFFFFF80, v29  }
0x1c7: {  	v46 =	vld [tilespmem:s8+$0x60];
	v36 =	vand.u32 $0xFFFFFF80, v35;
	v39 =	vand.u32 $0xFFFFFF80, v37;
	v42 =	vand.u32 $0xFFFFFF80, v40  }
0x1c8: {  	v5 =	vand.u32 $0xFFFFFF80, v4;
	v9 =	vand.u32 $0xFFFFFF80, v7;
	v14 =	vand.u32 $0xFFFFFF80, v12  }
0x1c9: {  	v25 =	vand.u32 $0xFFFFFF80, v47;
	vm5 =	vlt.u32 v47, $0xF500;
	vm4 =	vlt.u32 v26, $0xF500  }
0x1ca: {  	vm3 =	vlt.u32 v27, $0xF500;
	vm1 =	vlt.u32 v29, $0xF500;
	vm7 =	vlt.u32 v35, $0xF500  }
0x1cb: {  	vm2 =	vlt.u32 v37, $0xF500;
	v33 =	vor.u32 v2, v8;
	v2 =	vsub.s32 v10, v0  }
0x1cc: {  	v8 =	vand.u32 $0xFFFFFF80, v6;
	v10 =	vsub.s32 v15, v0;
	v15 =	vsub.s32 v46, v0  }
0x1cd: {  	v31 =	vor.u32 v17, v25;
	v17 =	vand.u32 $0xFFFFFF80, v13;
	v30 =	vor.u32 v23, v16  }
0x1ce: {  	v25 =	vand.u32 $0x7F, v24;
	v24 =	vand.u32 $0x7F, v44;
	v23 =	vand.u32 $0x7F, v46  }
0x1cf: {  	v32 =	vor.u32 v63, v28;
	v29 =	vor.u32 v38, v34;
	v28 =	vor.u32 v41, v36  }
0x1d0: {  	s6 =	simm.s32 $0x10000;
	v27 =	vor.u32 v43, v39;
	v26 =	vor.u32 v45, v42;
	v3 =	vand.u32 $0xFFFFFF80, v2  }
0x1d1: {  	s7 =	simm.s32 $0x0;
	s8 =	sadd.s32 $0x100, s8;
	v11 =	vand.u32 $0xFFFFFF80, v10;
	v16 =	vand.u32 $0xFFFFFF80, v15;
	[tilespmem:v33+s6+$0x0] =	vst.idx.msk vm0, v1;
	vm0 =	vlt.u32 v40, $0xF500  }
.LBB2_13:
0x1d2: {  	v33 =	vld [tilespmem:s8+$0x70];
	s7 =	sadd.s32 $0x10, s7;
	vm10 =	vlt.u32 v2, $0xF500;
	v2 =	vor.u32 v19, v3;
	vm8 =	vlt.u32 v4, $0xF500  }
0x1d3: {  	v4 =	vor.u32 v18, v5;
	vm9 =	vlt.u32 v6, $0xF500;
	v5 =	vor.u32 v20, v8;
	v3 =	vld [tilespmem:s8+$0xFFFFFF90];
	p0 =	slt.u32 s7, $0x1F0;
	[tilespmem:v31+s6+$0x0] =	vst.idx.msk vm5, v1  }
0x1d4: {  	vm6 =	vlt.u32 v7, $0xF500;
	v7 =	vor.u32 v21, v9;
	vm5 =	vlt.u32 v10, $0xF500;
	v6 =	vld [tilespmem:s8+$0xFFFFFFA0];
	[tilespmem:v30+s6+$0x0] =	vst.idx.msk vm4, v1  }
0x1d5: {  	v9 =	vor.u32 v22, v11;
	v10 =	vor.u32 v25, v14;
	v8 =	vld [tilespmem:s8+$0xFFFFFFB0];
	[tilespmem:v32+s6+$0x0] =	vst.idx.msk vm3, v1;
	vm3 =	vlt.u32 v12, $0xF500  }
0x1d6: {  	vm4 =	vlt.u32 v13, $0xF500;
	v12 =	vor.u32 v24, v17;
	v11 =	vld [tilespmem:s8+$0xFFFFFFC0];
	[tilespmem:v29+s6+$0x0] =	vst.idx.msk vm1, v1;
	vm1 =	vlt.u32 v15, $0xF500  }
0x1d7: {  	v15 =	vor.u32 v23, v16;
	v13 =	vld [tilespmem:s8+$0xFFFFFFD0];
	v14 =	vsub.s32 v33, v0;
	[tilespmem:v28+s6+$0x0] =	vst.idx.msk vm7, v1  }
0x1d8: {  	v17 =	vand.u32 $0x7F, v33;
	v16 =	vld [tilespmem:s8+$0xFFFFFFE0];
	vm7 =	vlt.u32 v14, $0xF500;
	v14 =	vand.u32 $0xFFFFFF80, v14;
	[tilespmem:v27+s6+$0x0] =	vst.idx.msk vm2, v1  }
0x1d9: {  	v27 =	vsub.s32 v3, v0;
	v28 =	vsub.s32 v6, v0;
	v18 =	vld [tilespmem:s8+$0xFFFFFFF0];
	v14 =	vor.u32 v17, v14  }
0x1da: {  	v29 =	vand.u32 $0xFFFFFF80, v27;
	v32 =	vand.u32 $0xFFFFFF80, v28;
	v33 =	vsub.s32 v8, v0;
	v17 =	vld [tilespmem:s8+$0x0];
	[tilespmem:v26+s6+$0x0] =	vst.idx.msk vm0, v1  }
0x1db: {  	v26 =	vand.u32 $0x7F, v3;
	v34 =	vand.u32 $0xFFFFFF80, v33;
	v35 =	vsub.s32 v11, v0;
	v20 =	vld [tilespmem:s8+$0x10];
	[tilespmem:v2+s6+$0x0] =	vst.idx.msk vm10, v1  }
0x1dc: {  	v36 =	vand.u32 $0x7F, v6;
	v37 =	vand.u32 $0xFFFFFF80, v35;
	v38 =	vsub.s32 v13, v0;
	v21 =	vld [tilespmem:s8+$0x20];
	[tilespmem:v4+s6+$0x0] =	vst.idx.msk vm8, v1  }
0x1dd: {  	v39 =	vand.u32 $0x7F, v8;
	v40 =	vand.u32 $0xFFFFFF80, v38;
	v41 =	vsub.s32 v16, v0;
	v22 =	vld [tilespmem:s8+$0x30];
	[tilespmem:v5+s6+$0x0] =	vst.idx.msk vm9, v1  }
0x1de: {  	v42 =	vand.u32 $0x7F, v11;
	v43 =	vand.u32 $0xFFFFFF80, v41;
	v2 =	vsub.s32 v18, v0;
	v23 =	vld [tilespmem:s8+$0x40];
	[tilespmem:v14+s6+$0x0] =	vst.idx.msk vm7, v1  }
0x1df: {  	v44 =	vand.u32 $0x7F, v13;
	v3 =	vand.u32 $0xFFFFFF80, v2;
	v4 =	vsub.s32 v17, v0;
	v24 =	vld [tilespmem:s8+$0x50];
	[tilespmem:v7+s6+$0x0] =	vst.idx.msk vm6, v1  }
0x1e0: {  	v45 =	vand.u32 $0x7F, v16;
	v5 =	vand.u32 $0xFFFFFF80, v4;
	v6 =	vsub.s32 v20, v0;
	v30 =	vld [tilespmem:s8+$0x60];
	[tilespmem:v9+s6+$0x0] =	vst.idx.msk vm5, v1  }
0x1e1: {  	v19 =	vand.u32 $0x7F, v18;
	v16 =	vld [tilespmem:s8+$0xFFFFFF80];
	v8 =	vand.u32 $0xFFFFFF80, v6;
	v7 =	vsub.s32 v21, v0;
	[tilespmem:v10+s6+$0x0] =	vst.idx.msk vm3, v1  }
0x1e2: {  	v18 =	vand.u32 $0x7F, v17;
	v9 =	vand.u32 $0xFFFFFF80, v7;
	v10 =	vsub.s32 v22, v0;
	[tilespmem:v12+s6+$0x0] =	vst.idx.msk vm4, v1  }
0x1e3: {  	v20 =	vand.u32 $0x7F, v20;
	v11 =	vand.u32 $0xFFFFFF80, v10;
	v12 =	vsub.s32 v23, v0;
	[tilespmem:v15+s6+$0x0] =	vst.idx.msk vm1, v1  }
0x1e4: {  	v21 =	vand.u32 $0x7F, v21;
	v14 =	vand.u32 $0xFFFFFF80, v12;
	v13 =	vsub.s32 v24, v0  }
0x1e5: {  	v22 =	vand.u32 $0x7F, v22;
	v17 =	vand.u32 $0xFFFFFF80, v13;
	v15 =	vsub.s32 v30, v0  }
0x1e6: {  	v31 =	vsub.s32 v16, v0;
	v46 =	vand.u32 $0x7F, v16;
	v16 =	vand.u32 $0xFFFFFF80, v15  }
0x1e7: {  	v25 =	vand.u32 $0x7F, v23;
	v24 =	vand.u32 $0x7F, v24;
	v47 =	vand.u32 $0xFFFFFF80, v31  }
.Ltmp6:
0x1e8: {  	v23 =	vand.u32 $0x7F, v30;
	vm5 =	vlt.u32 v31, $0xF500;
	v31 =	vor.u32 v46, v47;
	(pc) =	sbr.rel @p0 .LBB2_13-.Ltmp6, $4  }
0x1e9: {  	vm3 =	vlt.u32 v28, $0xF500;
	vm4 =	vlt.u32 v27, $0xF500;
	v30 =	vor.u32 v26, v29  }
0x1ea: {  	v32 =	vor.u32 v36, v32;
	vm1 =	vlt.u32 v33, $0xF500;
	v29 =	vor.u32 v39, v34  }
0x1eb: {  	vm2 =	vlt.u32 v38, $0xF500;
	vm7 =	vlt.u32 v35, $0xF500;
	v28 =	vor.u32 v42, v37  }
0x1ec: {  	vm0 =	vlt.u32 v41, $0xF500;
	s8 =	sadd.s32 $0x100, s8;
	v27 =	vor.u32 v44, v40;
	v26 =	vor.u32 v45, v43  }
0x1ed: {  	_ =	sdelay $0x4  }
0x1ee: {  	[tilespmem:v31+s6+$0x0] =	vst.idx.msk vm5, v1  }
0x1ef: {  	vm5 =	vlt.u32 v2, $0xF500;
	[tilespmem:v30+s6+$0x0] =	vst.idx.msk vm4, v1  }
0x1f0: {  	v2 =	vor.u32 v19, v3;
	vm4 =	vlt.u32 v4, $0xF500;
	[tilespmem:v32+s6+$0x0] =	vst.idx.msk vm3, v1  }
0x1f1: {  	v3 =	vor.u32 v18, v5;
	vm3 =	vlt.u32 v6, $0xF500;
	[tilespmem:v29+s6+$0x0] =	vst.idx.msk vm1, v1  }
0x1f2: {  	v4 =	vor.u32 v20, v8;
	vm1 =	vlt.u32 v7, $0xF500;
	[tilespmem:v28+s6+$0x0] =	vst.idx.msk vm7, v1  }
0x1f3: {  	v5 =	vor.u32 v21, v9;
	vm6 =	vlt.u32 v10, $0xF500;
	[tilespmem:v27+s6+$0x0] =	vst.idx.msk vm2, v1  }
0x1f4: {  	v6 =	vor.u32 v22, v11;
	vm2 =	vlt.u32 v12, $0xF500;
	[tilespmem:v26+s6+$0x0] =	vst.idx.msk vm0, v1  }
0x1f5: {  	v7 =	vor.u32 v25, v14;
	vm0 =	vlt.u32 v13, $0xF500;
	[tilespmem:v2+s6+$0x0] =	vst.idx.msk vm5, v1  }
0x1f6: {  	v2 =	vor.u32 v24, v17;
	vm5 =	vlt.u32 v15, $0xF500;
	[tilespmem:v3+s6+$0x0] =	vst.idx.msk vm4, v1  }
0x1f7: {  	v3 =	vor.u32 v23, v16;
	[tilespmem:v4+s6+$0x0] =	vst.idx.msk vm3, v1  }
0x1f8: {  	[tilespmem:v5+s6+$0x0] =	vst.idx.msk vm1, v1  }
0x1f9: {  	[tilespmem:v6+s6+$0x0] =	vst.idx.msk vm6, v1  }
0x1fa: {  	[tilespmem:v7+s6+$0x0] =	vst.idx.msk vm2, v1  }
0x1fb: {  	[tilespmem:v2+s6+$0x0] =	vst.idx.msk vm0, v1  }
0x1fc: {  	s31 =	simm.s32 $0x7;
	[tilespmem:v3+s6+$0x0] =	vst.idx.msk vm5, v1  }
0x1fd: {  	_ =	swait.ge [sflag:s31], $0x2000  }
0x1fe: {  	[sflag:s31] =	ssyncset.done $0x0  }
0x1ff: {  	s7 =	sor.u32 $0x80, s5;
	[sflag:s31] =	ssyncadd.s32 $0xFFFFE000  }
0x200: {  	v2 =	vld [tilespmem:s7+$0x70]  }
0x201: {  	v3 =	vld [tilespmem:s7+$0xFFFFFF90]  }
0x202: {  	v4 =	vld [tilespmem:s7+$0xFFFFFFA0]  }
0x203: {  	v5 =	vld [tilespmem:s7+$0xFFFFFFB0]  }
0x204: {  	v6 =	vld [tilespmem:s7+$0xFFFFFFC0]  }
0x205: {  	v7 =	vld [tilespmem:s7+$0xFFFFFFD0]  }
0x206: {  	v9 =	vld [tilespmem:s7+$0xFFFFFFE0]  }
0x207: {  	v10 =	vld [tilespmem:s7+$0xFFFFFFF0]  }
0x208: {  	v11 =	vld [tilespmem:s7+$0x0]  }
0x209: {  	v12 =	vld [tilespmem:s7+$0x10]  }
0x20a: {  	v1 =	vimm.f32 $1.000000000e+00;
	v13 =	vld [tilespmem:s7+$0x20];
	v8 =	vsub.s32 v2, v0  }
0x20b: {  	v24 =	vld [tilespmem:s7+$0x40];
	v2 =	vand.u32 $0x7F, v2;
	v26 =	vsub.s32 v3, v0;
	v27 =	vsub.s32 v4, v0  }
0x20c: {  	v17 =	vld [tilespmem:s7+$0xFFFFFF80];
	v29 =	vsub.s32 v5, v0;
	v23 =	vand.u32 $0x7F, v3;
	v35 =	vsub.s32 v6, v0  }
0x20d: {  	v44 =	vld [tilespmem:s7+$0x50];
	v63 =	vand.u32 $0x7F, v4;
	v37 =	vsub.s32 v7, v0;
	v38 =	vand.u32 $0x7F, v5  }
0x20e: {  	v15 =	vld [tilespmem:s7+$0x30];
	v40 =	vsub.s32 v9, v0;
	v41 =	vand.u32 $0x7F, v6;
	v43 =	vand.u32 $0x7F, v7  }
0x20f: {  	v4 =	vsub.s32 v11, v0;
	v45 =	vand.u32 $0x7F, v9;
	v6 =	vsub.s32 v12, v0  }
0x210: {  	v19 =	vand.u32 $0x7F, v10;
	v7 =	vsub.s32 v13, v0;
	v18 =	vand.u32 $0x7F, v11  }
0x211: {  	v20 =	vand.u32 $0x7F, v12;
	v12 =	vsub.s32 v24, v0;
	v21 =	vand.u32 $0x7F, v13  }
0x212: {  	v47 =	vsub.s32 v17, v0;
	v13 =	vsub.s32 v44, v0;
	v17 =	vand.u32 $0x7F, v17  }
0x213: {  	v22 =	vand.u32 $0x7F, v15;
	vm0 =	vlt.u32 v8, $0xF500;
	v8 =	vand.u32 $0xFFFFFF80, v8  }
0x214: {  	v16 =	vand.u32 $0xFFFFFF80, v26;
	v28 =	vand.u32 $0xFFFFFF80, v27;
	v34 =	vand.u32 $0xFFFFFF80, v29  }
0x215: {  	v46 =	vld [tilespmem:s7+$0x60];
	v36 =	vand.u32 $0xFFFFFF80, v35;
	v39 =	vand.u32 $0xFFFFFF80, v37;
	v42 =	vand.u32 $0xFFFFFF80, v40  }
0x216: {  	v5 =	vand.u32 $0xFFFFFF80, v4;
	v9 =	vand.u32 $0xFFFFFF80, v7;
	v14 =	vand.u32 $0xFFFFFF80, v12  }
0x217: {  	v25 =	vand.u32 $0xFFFFFF80, v47;
	vm5 =	vlt.u32 v47, $0xF500;
	vm4 =	vlt.u32 v26, $0xF500  }
0x218: {  	vm3 =	vlt.u32 v27, $0xF500;
	vm1 =	vlt.u32 v29, $0xF500;
	vm7 =	vlt.u32 v35, $0xF500  }
0x219: {  	vm2 =	vlt.u32 v37, $0xF500;
	v33 =	vor.u32 v2, v8;
	v2 =	vsub.s32 v10, v0  }
0x21a: {  	v8 =	vand.u32 $0xFFFFFF80, v6;
	v10 =	vsub.s32 v15, v0;
	v15 =	vsub.s32 v46, v0  }
0x21b: {  	v31 =	vor.u32 v17, v25;
	v17 =	vand.u32 $0xFFFFFF80, v13;
	v30 =	vor.u32 v23, v16  }
0x21c: {  	v25 =	vand.u32 $0x7F, v24;
	v24 =	vand.u32 $0x7F, v44;
	v23 =	vand.u32 $0x7F, v46  }
0x21d: {  	v32 =	vor.u32 v63, v28;
	v29 =	vor.u32 v38, v34;
	v28 =	vor.u32 v41, v36  }
0x21e: {  	s5 =	simm.s32 $0x10000;
	v27 =	vor.u32 v43, v39;
	v26 =	vor.u32 v45, v42;
	v3 =	vand.u32 $0xFFFFFF80, v2  }
0x21f: {  	s6 =	simm.s32 $0x0;
	s7 =	sadd.s32 $0x100, s7;
	v11 =	vand.u32 $0xFFFFFF80, v10;
	v16 =	vand.u32 $0xFFFFFF80, v15;
	[tilespmem:v33+s5+$0x0] =	vst.idx.msk vm0, v1;
	vm0 =	vlt.u32 v40, $0xF500  }
.LBB2_15:
0x220: {  	v33 =	vld [tilespmem:s7+$0x70];
	s6 =	sadd.s32 $0x10, s6;
	vm10 =	vlt.u32 v2, $0xF500;
	v2 =	vor.u32 v19, v3;
	vm8 =	vlt.u32 v4, $0xF500  }
0x221: {  	v4 =	vor.u32 v18, v5;
	vm9 =	vlt.u32 v6, $0xF500;
	v5 =	vor.u32 v20, v8;
	v3 =	vld [tilespmem:s7+$0xFFFFFF90];
	p0 =	slt.u32 s6, $0x1F0;
	[tilespmem:v31+s5+$0x0] =	vst.idx.msk vm5, v1  }
0x222: {  	vm6 =	vlt.u32 v7, $0xF500;
	v7 =	vor.u32 v21, v9;
	vm5 =	vlt.u32 v10, $0xF500;
	v6 =	vld [tilespmem:s7+$0xFFFFFFA0];
	[tilespmem:v30+s5+$0x0] =	vst.idx.msk vm4, v1  }
0x223: {  	v9 =	vor.u32 v22, v11;
	v10 =	vor.u32 v25, v14;
	v8 =	vld [tilespmem:s7+$0xFFFFFFB0];
	[tilespmem:v32+s5+$0x0] =	vst.idx.msk vm3, v1;
	vm3 =	vlt.u32 v12, $0xF500  }
0x224: {  	vm4 =	vlt.u32 v13, $0xF500;
	v12 =	vor.u32 v24, v17;
	v11 =	vld [tilespmem:s7+$0xFFFFFFC0];
	[tilespmem:v29+s5+$0x0] =	vst.idx.msk vm1, v1;
	vm1 =	vlt.u32 v15, $0xF500  }
0x225: {  	v15 =	vor.u32 v23, v16;
	v13 =	vld [tilespmem:s7+$0xFFFFFFD0];
	v14 =	vsub.s32 v33, v0;
	[tilespmem:v28+s5+$0x0] =	vst.idx.msk vm7, v1  }
0x226: {  	v17 =	vand.u32 $0x7F, v33;
	v16 =	vld [tilespmem:s7+$0xFFFFFFE0];
	vm7 =	vlt.u32 v14, $0xF500;
	v14 =	vand.u32 $0xFFFFFF80, v14;
	[tilespmem:v27+s5+$0x0] =	vst.idx.msk vm2, v1  }
0x227: {  	v27 =	vsub.s32 v3, v0;
	v28 =	vsub.s32 v6, v0;
	v18 =	vld [tilespmem:s7+$0xFFFFFFF0];
	v14 =	vor.u32 v17, v14  }
0x228: {  	v29 =	vand.u32 $0xFFFFFF80, v27;
	v32 =	vand.u32 $0xFFFFFF80, v28;
	v33 =	vsub.s32 v8, v0;
	v17 =	vld [tilespmem:s7+$0x0];
	[tilespmem:v26+s5+$0x0] =	vst.idx.msk vm0, v1  }
0x229: {  	v26 =	vand.u32 $0x7F, v3;
	v34 =	vand.u32 $0xFFFFFF80, v33;
	v35 =	vsub.s32 v11, v0;
	v20 =	vld [tilespmem:s7+$0x10];
	[tilespmem:v2+s5+$0x0] =	vst.idx.msk vm10, v1  }
0x22a: {  	v36 =	vand.u32 $0x7F, v6;
	v37 =	vand.u32 $0xFFFFFF80, v35;
	v38 =	vsub.s32 v13, v0;
	v21 =	vld [tilespmem:s7+$0x20];
	[tilespmem:v4+s5+$0x0] =	vst.idx.msk vm8, v1  }
0x22b: {  	v39 =	vand.u32 $0x7F, v8;
	v40 =	vand.u32 $0xFFFFFF80, v38;
	v41 =	vsub.s32 v16, v0;
	v22 =	vld [tilespmem:s7+$0x30];
	[tilespmem:v5+s5+$0x0] =	vst.idx.msk vm9, v1  }
0x22c: {  	v42 =	vand.u32 $0x7F, v11;
	v43 =	vand.u32 $0xFFFFFF80, v41;
	v2 =	vsub.s32 v18, v0;
	v23 =	vld [tilespmem:s7+$0x40];
	[tilespmem:v14+s5+$0x0] =	vst.idx.msk vm7, v1  }
0x22d: {  	v44 =	vand.u32 $0x7F, v13;
	v3 =	vand.u32 $0xFFFFFF80, v2;
	v4 =	vsub.s32 v17, v0;
	v24 =	vld [tilespmem:s7+$0x50];
	[tilespmem:v7+s5+$0x0] =	vst.idx.msk vm6, v1  }
0x22e: {  	v45 =	vand.u32 $0x7F, v16;
	v5 =	vand.u32 $0xFFFFFF80, v4;
	v6 =	vsub.s32 v20, v0;
	v30 =	vld [tilespmem:s7+$0x60];
	[tilespmem:v9+s5+$0x0] =	vst.idx.msk vm5, v1  }
0x22f: {  	v19 =	vand.u32 $0x7F, v18;
	v16 =	vld [tilespmem:s7+$0xFFFFFF80];
	v8 =	vand.u32 $0xFFFFFF80, v6;
	v7 =	vsub.s32 v21, v0;
	[tilespmem:v10+s5+$0x0] =	vst.idx.msk vm3, v1  }
0x230: {  	v18 =	vand.u32 $0x7F, v17;
	v9 =	vand.u32 $0xFFFFFF80, v7;
	v10 =	vsub.s32 v22, v0;
	[tilespmem:v12+s5+$0x0] =	vst.idx.msk vm4, v1  }
0x231: {  	v20 =	vand.u32 $0x7F, v20;
	v11 =	vand.u32 $0xFFFFFF80, v10;
	v12 =	vsub.s32 v23, v0;
	[tilespmem:v15+s5+$0x0] =	vst.idx.msk vm1, v1  }
0x232: {  	v21 =	vand.u32 $0x7F, v21;
	v14 =	vand.u32 $0xFFFFFF80, v12;
	v13 =	vsub.s32 v24, v0  }
0x233: {  	v22 =	vand.u32 $0x7F, v22;
	v17 =	vand.u32 $0xFFFFFF80, v13;
	v15 =	vsub.s32 v30, v0  }
0x234: {  	v31 =	vsub.s32 v16, v0;
	v46 =	vand.u32 $0x7F, v16;
	v16 =	vand.u32 $0xFFFFFF80, v15  }
0x235: {  	v25 =	vand.u32 $0x7F, v23;
	v24 =	vand.u32 $0x7F, v24;
	v47 =	vand.u32 $0xFFFFFF80, v31  }
.Ltmp7:
0x236: {  	v23 =	vand.u32 $0x7F, v30;
	vm5 =	vlt.u32 v31, $0xF500;
	v31 =	vor.u32 v46, v47;
	(pc) =	sbr.rel @p0 .LBB2_15-.Ltmp7, $4  }
0x237: {  	vm3 =	vlt.u32 v28, $0xF500;
	vm4 =	vlt.u32 v27, $0xF500;
	v30 =	vor.u32 v26, v29  }
0x238: {  	v32 =	vor.u32 v36, v32;
	vm1 =	vlt.u32 v33, $0xF500;
	v29 =	vor.u32 v39, v34  }
0x239: {  	vm2 =	vlt.u32 v38, $0xF500;
	vm7 =	vlt.u32 v35, $0xF500;
	v28 =	vor.u32 v42, v37  }
0x23a: {  	vm0 =	vlt.u32 v41, $0xF500;
	s7 =	sadd.s32 $0x100, s7;
	v27 =	vor.u32 v44, v40;
	v26 =	vor.u32 v45, v43  }
0x23b: {  	_ =	sdelay $0x4  }
0x23c: {  	[tilespmem:v31+s5+$0x0] =	vst.idx.msk vm5, v1  }
0x23d: {  	vm5 =	vlt.u32 v2, $0xF500;
	[tilespmem:v30+s5+$0x0] =	vst.idx.msk vm4, v1  }
0x23e: {  	v2 =	vor.u32 v19, v3;
	vm4 =	vlt.u32 v4, $0xF500;
	[tilespmem:v32+s5+$0x0] =	vst.idx.msk vm3, v1  }
0x23f: {  	v3 =	vor.u32 v18, v5;
	vm3 =	vlt.u32 v6, $0xF500;
	[tilespmem:v29+s5+$0x0] =	vst.idx.msk vm1, v1  }
0x240: {  	v4 =	vor.u32 v20, v8;
	vm1 =	vlt.u32 v7, $0xF500;
	[tilespmem:v28+s5+$0x0] =	vst.idx.msk vm7, v1  }
0x241: {  	v5 =	vor.u32 v21, v9;
	vm6 =	vlt.u32 v10, $0xF500;
	[tilespmem:v27+s5+$0x0] =	vst.idx.msk vm2, v1  }
0x242: {  	v6 =	vor.u32 v22, v11;
	vm2 =	vlt.u32 v12, $0xF500;
	[tilespmem:v26+s5+$0x0] =	vst.idx.msk vm0, v1  }
0x243: {  	v7 =	vor.u32 v25, v14;
	vm0 =	vlt.u32 v13, $0xF500;
	[tilespmem:v2+s5+$0x0] =	vst.idx.msk vm5, v1  }
0x244: {  	v2 =	vor.u32 v24, v17;
	vm5 =	vlt.u32 v15, $0xF500;
	[tilespmem:v3+s5+$0x0] =	vst.idx.msk vm4, v1  }
0x245: {  	v3 =	vor.u32 v23, v16;
	[tilespmem:v4+s5+$0x0] =	vst.idx.msk vm3, v1  }
0x246: {  	[tilespmem:v5+s5+$0x0] =	vst.idx.msk vm1, v1  }
0x247: {  	[tilespmem:v6+s5+$0x0] =	vst.idx.msk vm6, v1  }
0x248: {  	[tilespmem:v7+s5+$0x0] =	vst.idx.msk vm2, v1  }
0x249: {  	[tilespmem:v2+s5+$0x0] =	vst.idx.msk vm0, v1  }
0x24a: {  	s31 =	simm.s32 $0x8;
	[tilespmem:v3+s5+$0x0] =	vst.idx.msk vm5, v1  }
0x24b: {  	_ =	swait.ge [sflag:s31], $0x2000  }
0x24c: {  	[sflag:s31] =	ssyncset.done $0x0  }
0x24d: {  	s6 =	sor.u32 $0x80, s4;
	[sflag:s31] =	ssyncadd.s32 $0xFFFFE000  }
0x24e: {  	v2 =	vld [tilespmem:s6+$0x70]  }
0x24f: {  	v3 =	vld [tilespmem:s6+$0xFFFFFF90]  }
0x250: {  	v4 =	vld [tilespmem:s6+$0xFFFFFFA0]  }
0x251: {  	v5 =	vld [tilespmem:s6+$0xFFFFFFB0]  }
0x252: {  	v6 =	vld [tilespmem:s6+$0xFFFFFFC0]  }
0x253: {  	v7 =	vld [tilespmem:s6+$0xFFFFFFD0]  }
0x254: {  	v9 =	vld [tilespmem:s6+$0xFFFFFFE0]  }
0x255: {  	v10 =	vld [tilespmem:s6+$0xFFFFFFF0]  }
0x256: {  	v11 =	vld [tilespmem:s6+$0x0]  }
0x257: {  	v12 =	vld [tilespmem:s6+$0x10]  }
0x258: {  	v1 =	vimm.f32 $1.000000000e+00;
	v13 =	vld [tilespmem:s6+$0x20];
	v8 =	vsub.s32 v2, v0  }
0x259: {  	v24 =	vld [tilespmem:s6+$0x40];
	v2 =	vand.u32 $0x7F, v2;
	v26 =	vsub.s32 v3, v0;
	v27 =	vsub.s32 v4, v0  }
0x25a: {  	v17 =	vld [tilespmem:s6+$0xFFFFFF80];
	v29 =	vsub.s32 v5, v0;
	v23 =	vand.u32 $0x7F, v3;
	v35 =	vsub.s32 v6, v0  }
0x25b: {  	v44 =	vld [tilespmem:s6+$0x50];
	v63 =	vand.u32 $0x7F, v4;
	v37 =	vsub.s32 v7, v0;
	v38 =	vand.u32 $0x7F, v5  }
0x25c: {  	v15 =	vld [tilespmem:s6+$0x30];
	v40 =	vsub.s32 v9, v0;
	v41 =	vand.u32 $0x7F, v6;
	v43 =	vand.u32 $0x7F, v7  }
0x25d: {  	v4 =	vsub.s32 v11, v0;
	v45 =	vand.u32 $0x7F, v9;
	v6 =	vsub.s32 v12, v0  }
0x25e: {  	v19 =	vand.u32 $0x7F, v10;
	v7 =	vsub.s32 v13, v0;
	v18 =	vand.u32 $0x7F, v11  }
0x25f: {  	v20 =	vand.u32 $0x7F, v12;
	v12 =	vsub.s32 v24, v0;
	v21 =	vand.u32 $0x7F, v13  }
0x260: {  	v47 =	vsub.s32 v17, v0;
	v13 =	vsub.s32 v44, v0;
	v17 =	vand.u32 $0x7F, v17  }
0x261: {  	v22 =	vand.u32 $0x7F, v15;
	vm0 =	vlt.u32 v8, $0xF500;
	v8 =	vand.u32 $0xFFFFFF80, v8  }
0x262: {  	v16 =	vand.u32 $0xFFFFFF80, v26;
	v28 =	vand.u32 $0xFFFFFF80, v27;
	v34 =	vand.u32 $0xFFFFFF80, v29  }
0x263: {  	v46 =	vld [tilespmem:s6+$0x60];
	v36 =	vand.u32 $0xFFFFFF80, v35;
	v39 =	vand.u32 $0xFFFFFF80, v37;
	v42 =	vand.u32 $0xFFFFFF80, v40  }
0x264: {  	v5 =	vand.u32 $0xFFFFFF80, v4;
	v9 =	vand.u32 $0xFFFFFF80, v7;
	v14 =	vand.u32 $0xFFFFFF80, v12  }
0x265: {  	v25 =	vand.u32 $0xFFFFFF80, v47;
	vm5 =	vlt.u32 v47, $0xF500;
	vm4 =	vlt.u32 v26, $0xF500  }
0x266: {  	vm3 =	vlt.u32 v27, $0xF500;
	vm1 =	vlt.u32 v29, $0xF500;
	vm7 =	vlt.u32 v35, $0xF500  }
0x267: {  	vm2 =	vlt.u32 v37, $0xF500;
	v33 =	vor.u32 v2, v8;
	v2 =	vsub.s32 v10, v0  }
0x268: {  	v8 =	vand.u32 $0xFFFFFF80, v6;
	v10 =	vsub.s32 v15, v0;
	v15 =	vsub.s32 v46, v0  }
0x269: {  	v31 =	vor.u32 v17, v25;
	v17 =	vand.u32 $0xFFFFFF80, v13;
	v30 =	vor.u32 v23, v16  }
0x26a: {  	v25 =	vand.u32 $0x7F, v24;
	v24 =	vand.u32 $0x7F, v44;
	v23 =	vand.u32 $0x7F, v46  }
0x26b: {  	v32 =	vor.u32 v63, v28;
	v29 =	vor.u32 v38, v34;
	v28 =	vor.u32 v41, v36  }
0x26c: {  	s4 =	simm.s32 $0x10000;
	v27 =	vor.u32 v43, v39;
	v26 =	vor.u32 v45, v42;
	v3 =	vand.u32 $0xFFFFFF80, v2  }
0x26d: {  	s5 =	simm.s32 $0x0;
	s6 =	sadd.s32 $0x100, s6;
	v11 =	vand.u32 $0xFFFFFF80, v10;
	v16 =	vand.u32 $0xFFFFFF80, v15;
	[tilespmem:v33+s4+$0x0] =	vst.idx.msk vm0, v1;
	vm0 =	vlt.u32 v40, $0xF500  }
.LBB2_17:
0x26e: {  	v33 =	vld [tilespmem:s6+$0x70];
	s5 =	sadd.s32 $0x10, s5;
	vm10 =	vlt.u32 v2, $0xF500;
	v2 =	vor.u32 v19, v3;
	vm8 =	vlt.u32 v4, $0xF500  }
0x26f: {  	v4 =	vor.u32 v18, v5;
	vm9 =	vlt.u32 v6, $0xF500;
	v5 =	vor.u32 v20, v8;
	v3 =	vld [tilespmem:s6+$0xFFFFFF90];
	p0 =	slt.u32 s5, $0x1F0;
	[tilespmem:v31+s4+$0x0] =	vst.idx.msk vm5, v1  }
0x270: {  	vm6 =	vlt.u32 v7, $0xF500;
	v7 =	vor.u32 v21, v9;
	vm5 =	vlt.u32 v10, $0xF500;
	v6 =	vld [tilespmem:s6+$0xFFFFFFA0];
	[tilespmem:v30+s4+$0x0] =	vst.idx.msk vm4, v1  }
0x271: {  	v9 =	vor.u32 v22, v11;
	v10 =	vor.u32 v25, v14;
	v8 =	vld [tilespmem:s6+$0xFFFFFFB0];
	[tilespmem:v32+s4+$0x0] =	vst.idx.msk vm3, v1;
	vm3 =	vlt.u32 v12, $0xF500  }
0x272: {  	vm4 =	vlt.u32 v13, $0xF500;
	v12 =	vor.u32 v24, v17;
	v11 =	vld [tilespmem:s6+$0xFFFFFFC0];
	[tilespmem:v29+s4+$0x0] =	vst.idx.msk vm1, v1;
	vm1 =	vlt.u32 v15, $0xF500  }
0x273: {  	v15 =	vor.u32 v23, v16;
	v13 =	vld [tilespmem:s6+$0xFFFFFFD0];
	v14 =	vsub.s32 v33, v0;
	[tilespmem:v28+s4+$0x0] =	vst.idx.msk vm7, v1  }
0x274: {  	v17 =	vand.u32 $0x7F, v33;
	v16 =	vld [tilespmem:s6+$0xFFFFFFE0];
	vm7 =	vlt.u32 v14, $0xF500;
	v14 =	vand.u32 $0xFFFFFF80, v14;
	[tilespmem:v27+s4+$0x0] =	vst.idx.msk vm2, v1  }
0x275: {  	v27 =	vsub.s32 v3, v0;
	v28 =	vsub.s32 v6, v0;
	v18 =	vld [tilespmem:s6+$0xFFFFFFF0];
	v14 =	vor.u32 v17, v14  }
0x276: {  	v29 =	vand.u32 $0xFFFFFF80, v27;
	v32 =	vand.u32 $0xFFFFFF80, v28;
	v33 =	vsub.s32 v8, v0;
	v17 =	vld [tilespmem:s6+$0x0];
	[tilespmem:v26+s4+$0x0] =	vst.idx.msk vm0, v1  }
0x277: {  	v26 =	vand.u32 $0x7F, v3;
	v34 =	vand.u32 $0xFFFFFF80, v33;
	v35 =	vsub.s32 v11, v0;
	v20 =	vld [tilespmem:s6+$0x10];
	[tilespmem:v2+s4+$0x0] =	vst.idx.msk vm10, v1  }
0x278: {  	v36 =	vand.u32 $0x7F, v6;
	v37 =	vand.u32 $0xFFFFFF80, v35;
	v38 =	vsub.s32 v13, v0;
	v21 =	vld [tilespmem:s6+$0x20];
	[tilespmem:v4+s4+$0x0] =	vst.idx.msk vm8, v1  }
0x279: {  	v39 =	vand.u32 $0x7F, v8;
	v40 =	vand.u32 $0xFFFFFF80, v38;
	v41 =	vsub.s32 v16, v0;
	v22 =	vld [tilespmem:s6+$0x30];
	[tilespmem:v5+s4+$0x0] =	vst.idx.msk vm9, v1  }
0x27a: {  	v42 =	vand.u32 $0x7F, v11;
	v43 =	vand.u32 $0xFFFFFF80, v41;
	v2 =	vsub.s32 v18, v0;
	v23 =	vld [tilespmem:s6+$0x40];
	[tilespmem:v14+s4+$0x0] =	vst.idx.msk vm7, v1  }
0x27b: {  	v44 =	vand.u32 $0x7F, v13;
	v3 =	vand.u32 $0xFFFFFF80, v2;
	v4 =	vsub.s32 v17, v0;
	v24 =	vld [tilespmem:s6+$0x50];
	[tilespmem:v7+s4+$0x0] =	vst.idx.msk vm6, v1  }
0x27c: {  	v45 =	vand.u32 $0x7F, v16;
	v5 =	vand.u32 $0xFFFFFF80, v4;
	v6 =	vsub.s32 v20, v0;
	v30 =	vld [tilespmem:s6+$0x60];
	[tilespmem:v9+s4+$0x0] =	vst.idx.msk vm5, v1  }
0x27d: {  	v19 =	vand.u32 $0x7F, v18;
	v16 =	vld [tilespmem:s6+$0xFFFFFF80];
	v8 =	vand.u32 $0xFFFFFF80, v6;
	v7 =	vsub.s32 v21, v0;
	[tilespmem:v10+s4+$0x0] =	vst.idx.msk vm3, v1  }
0x27e: {  	v18 =	vand.u32 $0x7F, v17;
	v9 =	vand.u32 $0xFFFFFF80, v7;
	v10 =	vsub.s32 v22, v0;
	[tilespmem:v12+s4+$0x0] =	vst.idx.msk vm4, v1  }
0x27f: {  	v20 =	vand.u32 $0x7F, v20;
	v11 =	vand.u32 $0xFFFFFF80, v10;
	v12 =	vsub.s32 v23, v0;
	[tilespmem:v15+s4+$0x0] =	vst.idx.msk vm1, v1  }
0x280: {  	v21 =	vand.u32 $0x7F, v21;
	v14 =	vand.u32 $0xFFFFFF80, v12;
	v13 =	vsub.s32 v24, v0  }
0x281: {  	v22 =	vand.u32 $0x7F, v22;
	v17 =	vand.u32 $0xFFFFFF80, v13;
	v15 =	vsub.s32 v30, v0  }
0x282: {  	v31 =	vsub.s32 v16, v0;
	v46 =	vand.u32 $0x7F, v16;
	v16 =	vand.u32 $0xFFFFFF80, v15  }
0x283: {  	v25 =	vand.u32 $0x7F, v23;
	v24 =	vand.u32 $0x7F, v24;
	v47 =	vand.u32 $0xFFFFFF80, v31  }
.Ltmp8:
0x284: {  	v23 =	vand.u32 $0x7F, v30;
	vm5 =	vlt.u32 v31, $0xF500;
	v31 =	vor.u32 v46, v47;
	(pc) =	sbr.rel @p0 .LBB2_17-.Ltmp8, $4  }
0x285: {  	vm3 =	vlt.u32 v28, $0xF500;
	vm4 =	vlt.u32 v27, $0xF500;
	v30 =	vor.u32 v26, v29  }
0x286: {  	v32 =	vor.u32 v36, v32;
	vm1 =	vlt.u32 v33, $0xF500;
	v29 =	vor.u32 v39, v34  }
0x287: {  	vm2 =	vlt.u32 v38, $0xF500;
	vm7 =	vlt.u32 v35, $0xF500;
	v28 =	vor.u32 v42, v37  }
0x288: {  	vm0 =	vlt.u32 v41, $0xF500;
	s6 =	sadd.s32 $0x100, s6;
	v27 =	vor.u32 v44, v40;
	v26 =	vor.u32 v45, v43  }
0x289: {  	_ =	sdelay $0x4  }
0x28a: {  	[tilespmem:v31+s4+$0x0] =	vst.idx.msk vm5, v1  }
0x28b: {  	vm9 =	vlt.u32 v2, $0xF500;
	[tilespmem:v30+s4+$0x0] =	vst.idx.msk vm4, v1  }
0x28c: {  	v0 =	vor.u32 v19, v3;
	vm10 =	vlt.u32 v4, $0xF500;
	[tilespmem:v32+s4+$0x0] =	vst.idx.msk vm3, v1  }
0x28d: {  	v57 =	vor.u32 v18, v5;
	vm11 =	vlt.u32 v6, $0xF500;
	[tilespmem:v29+s4+$0x0] =	vst.idx.msk vm1, v1  }
0x28e: {  	v58 =	vor.u32 v20, v8;
	vm12 =	vlt.u32 v7, $0xF500;
	[tilespmem:v28+s4+$0x0] =	vst.idx.msk vm7, v1  }
0x28f: {  	v59 =	vor.u32 v21, v9;
	vm6 =	vlt.u32 v10, $0xF500;
	[tilespmem:v27+s4+$0x0] =	vst.idx.msk vm2, v1  }
0x290: {  	v60 =	vor.u32 v22, v11;
	vm13 =	vlt.u32 v12, $0xF500;
	[tilespmem:v26+s4+$0x0] =	vst.idx.msk vm0, v1  }
0x291: {  	v61 =	vor.u32 v25, v14;
	vm14 =	vlt.u32 v13, $0xF500;
	[tilespmem:v0+s4+$0x0] =	vst.idx.msk vm9, v1  }
0x292: {  	v62 =	vor.u32 v24, v17;
	vm15 =	vlt.u32 v15, $0xF500;
	[tilespmem:v57+s4+$0x0] =	vst.idx.msk vm10, v1  }
0x293: {  	v63 =	vor.u32 v23, v16;
	[tilespmem:v58+s4+$0x0] =	vst.idx.msk vm11, v1  }
0x294: {  	[tilespmem:v59+s4+$0x0] =	vst.idx.msk vm12, v1  }
0x295: {  	[tilespmem:v60+s4+$0x0] =	vst.idx.msk vm6, v1  }
0x296: {  	[tilespmem:v61+s4+$0x0] =	vst.idx.msk vm13, v1  }
0x297: {  	p0 =	seq.s32 s1, $0xF;
	[tilespmem:v62+s4+$0x0] =	vst.idx.msk vm14, v1  }
0x298: {  	s5 =	simm.s32 @p0 $0x0;
	s6 =	simm.s32 @p0 $0x10000;
	[tilespmem:v63+s4+$0x0] =	vst.idx.msk vm15, v1;
	s4 =	sadd.s32 @p0 $0x1CB60, s2  }
0x299: {  	[hbm4b:s4+s5] =	stream.linear.scatter @p0 [tilespmem:s6], [sflag:$0x1], $0x39D0, $0x38;
	[tilespmem:$0x1F500] =	vst v63  }
0x29a: {  	s4 =	sadd.s32 @p0 $0x1D29A, s2;
	s6 =	simm.s32 @p0 $0x139D0  }
0x29b: {  	[hbm4b:s4+s5] =	stream.linear.scatter @p0 [tilespmem:s6], [sflag:$0x2], $0x39D0, $0x38;
	[tilespmem:$0x1F500] =	vst v63  }
0x29c: {  	s4 =	sadd.s32 @p0 $0x1D9D4, s2;
	s6 =	simm.s32 @p0 $0x173A0  }
0x29d: {  	[hbm4b:s4+s5] =	stream.linear.scatter @p0 [tilespmem:s6], [sflag:$0x3], $0x39D0, $0x38;
	[tilespmem:$0x1F500] =	vst v63  }
0x29e: {  	s4 =	sadd.s32 @p0 $0x1E10E, s2;
	s6 =	simm.s32 @p0 $0x1AD70  }
0x29f: {  	[hbm4b:s4+s5] =	stream.linear.scatter @p0 [tilespmem:s6], [sflag:$0x4], $0x39D0, $0x38;
	[tilespmem:$0x1F500] =	vst v63  }
0x2a0: {  	s4 =	simm.s32 @p0 $0x1  }
0x2a1: {  	_ =	swait.ge @p0 [sflag:s4], $0x39D0  }
0x2a2: {  	[sflag:s4] =	ssyncset.done @p0 $0x0  }
0x2a3: {  	[sflag:s4] =	ssyncadd.s32 @p0 $0xFFFFC630;
	s4 =	simm.s32 @p0 $0x2  }
0x2a4: {  	_ =	swait.ge @p0 [sflag:s4], $0x39D0  }
0x2a5: {  	[sflag:s4] =	ssyncset.done @p0 $0x0  }
0x2a6: {  	[sflag:s4] =	ssyncadd.s32 @p0 $0xFFFFC630;
	s4 =	simm.s32 @p0 $0x3  }
0x2a7: {  	_ =	swait.ge @p0 [sflag:s4], $0x39D0  }
0x2a8: {  	[sflag:s4] =	ssyncset.done @p0 $0x0  }
0x2a9: {  	[sflag:s4] =	ssyncadd.s32 @p0 $0xFFFFC630;
	s4 =	simm.s32 @p0 $0x4  }
0x2aa: {  	s3 =	sshrl.u32 @!p0 s3, $0x3;
	_ =	swait.ge @p0 [sflag:s4], $0x39D0  }
0x2ab: {  	s2 =	sadd.s32 @!p0 s2, s3;
	[sflag:s4] =	ssyncset.done @p0 $0x0  }
0x2ac: {  	s3 =	simm.s32 @!p0 $0x0;
	[sflag:s4] =	ssyncadd.s32 @p0 $0xFFFFC630;
	s4 =	simm.s32 @!p0 $0x10000  }
0x2ad: {  	[hbm4b:s2+s3] =	stream.linear.scatter @!p0 [tilespmem:s4], [sflag:$0x1], $0x3D40, $0x38;
	[tilespmem:$0x1F500] =	vst v63  }
0x2ae: {  	s5 =	simm.s32 @!p0 $0x13D40;
	s4 =	sadd.s32 @!p0 $0x7A8, s2  }
0x2af: {  	[hbm4b:s4+s3] =	stream.linear.scatter @!p0 [tilespmem:s5], [sflag:$0x2], $0x3D40, $0x38;
	[tilespmem:$0x1F500] =	vst v63  }
0x2b0: {  	s4 =	sadd.s32 @!p0 $0xF50, s2;
	s5 =	simm.s32 @!p0 $0x17A80  }
0x2b1: {  	[hbm4b:s4+s3] =	stream.linear.scatter @!p0 [tilespmem:s5], [sflag:$0x3], $0x3D40, $0x38;
	[tilespmem:$0x1F500] =	vst v63  }
0x2b2: {  	s2 =	sadd.s32 @!p0 $0x16F8, s2;
	s4 =	simm.s32 @!p0 $0x1B7C0  }
0x2b3: {  	[hbm4b:s2+s3] =	stream.linear.scatter @!p0 [tilespmem:s4], [sflag:$0x4], $0x3D40, $0x38;
	[tilespmem:$0x1F500] =	vst v63  }
0x2b4: {  	s2 =	simm.s32 @!p0 $0x1  }
0x2b5: {  	_ =	swait.ge @!p0 [sflag:s2], $0x3D40  }
0x2b6: {  	[sflag:s2] =	ssyncset.done @!p0 $0x0  }
0x2b7: {  	[sflag:s2] =	ssyncadd.s32 @!p0 $0xFFFFC2C0;
	s2 =	simm.s32 @!p0 $0x2  }
0x2b8: {  	_ =	swait.ge @!p0 [sflag:s2], $0x3D40  }
0x2b9: {  	[sflag:s2] =	ssyncset.done @!p0 $0x0  }
0x2ba: {  	[sflag:s2] =	ssyncadd.s32 @!p0 $0xFFFFC2C0;
	s2 =	simm.s32 @!p0 $0x3  }
0x2bb: {  	_ =	swait.ge @!p0 [sflag:s2], $0x3D40  }
0x2bc: {  	[sflag:s2] =	ssyncset.done @!p0 $0x0  }
0x2bd: {  	[sflag:s2] =	ssyncadd.s32 @!p0 $0xFFFFC2C0;
	s2 =	simm.s32 @!p0 $0x4  }
0x2be: {  	_ =	swait.ge @!p0 [sflag:s2], $0x3D40  }
0x2bf: {  	[sflag:s2] =	ssyncset.done @!p0 $0x0  }
0x2c0: {  	[sflag:s2] =	ssyncadd.s32 @!p0 $0xFFFFC2C0  }
0x2c1: {  	_ =	sfence.sel $0x180000  }
0x2c2: {  	[bflag:$0x0] =	sbarrier.arrive $0xFFFF  }
0x2c3: {  	p0 =	sne.s32 s1, $0x0;
	_ =	strace $0x90000047  }
0x2c4: {  	s0 =	sadd.s32 @!p0 $0x100000, s0;
	[bflag:$0x2] =	sbarrier.arrive $0xFFFF  }
0x2c5: {  	[sflag:s0] =	ssyncadd.tile.s32 @!p0 $0x1;
	_ =	shalt  }
.Lfunc_end2:
_tile_overlayer_lowered:
.L_overlay_start_2:
0x2c6: {  	(tag) =	ssettag $0x2  }
0x2c7: {  	s0 =	rddreg [dreg:$0x0];
	s2 =	stileid.u32  }
0x2c8: {  	s1 =	rddreg [dreg:$0x1];
	p0 =	sne.s32 s2, $0x0  }
0x2c9: {  	s3 =	rddreg [dreg:$0x2];
	[bflag:$0x3] =	sbarrier.arrive $0xFFFF;
	s2 =	simm.s32 @!p0 $0x1C09  }
0x2ca: {  	[timem:s3], [sflag:s2] =	dma.local @!p0 [hbm:s0], s1  }
0x2cb: {  	s0 =	simm.s32 @!p0 $0x9  }
0x2cc: {  	_ =	swait.ge @!p0 [sflag:s0], s1  }
0x2cd: {  	s1 =	ssub.s32 @!p0 $0x0, s1;
	[sflag:s0] =	ssyncset.done @!p0 $0x0  }
0x2ce: {  	[sflag:s0] =	ssyncadd.s32 @!p0 s1  }
0x2cf: {  	[bflag:$0x3] =	sbarrier.arrive $0xFFFF  }
0x2d0: {  	_ =	shalt  }

</sc_bundles>
